<compile_context>
chip_gen: v7x
topology: tpu7x:2x2x1
jax: 0.10.2.dev20260603
libtpu: 0.0.44.dev20260713+nightly
codegen_flags: <defaults>
</compile_context>

<pallas_src>
import functools

import jax
import jax.numpy as jnp
from jax import lax
from jax.experimental import pallas as pl
from jax.experimental.pallas import tpu as pltpu
from jax.experimental.pallas import tpu_sc as plsc

_NC = 2
_NS = 16
_NW = _NC * _NS
_CH = 128


@functools.lru_cache(maxsize=None)
def _make_sc_agg(n_pad: int, n_feat: int, cpw0: int, cpw1: int):
    rows_per_tile = n_pad // _NS
    assert rows_per_tile * _NS == n_pad and rows_per_tile % 8 == 0
    chunks = max(cpw0, cpw1)
    mesh = plsc.VectorSubcoreMesh(core_axis_name="c", subcore_axis_name="s")

    @functools.partial(
        pl.kernel,
        out_type=jax.ShapeDtypeStruct((_NC, n_pad, n_feat), jnp.float32),
        mesh=mesh,
        scratch_types=[
            pltpu.VMEM((chunks, _CH), jnp.int32),
            pltpu.VMEM((chunks, _CH), jnp.int32),
            pltpu.VMEM((_CH, n_feat), jnp.float32),
            pltpu.VMEM_SHARED((n_pad, n_feat), jnp.float32),
            pltpu.SemaphoreType.DMA,
        ],
    )
    def agg_kernel(x_hbm, src_hbm, dst_hbm, out_hbm, src_v, dst_v, rows_v,
                   acc, sem):
        c = lax.axis_index("c")
        s = lax.axis_index("s")
        wid = s * _NC + c
        pltpu.sync_copy(src_hbm.at[wid], src_v)
        pltpu.sync_copy(dst_hbm.at[wid], dst_v)
        row0 = s * rows_per_tile
        pltpu.sync_copy(x_hbm.at[pl.ds(row0, rows_per_tile)],
                        acc.at[pl.ds(row0, rows_per_tile)])
        plsc.subcore_barrier()

        def body(j, carry):
            pltpu.async_copy(x_hbm.at[src_v.at[j]], rows_v, sem).wait()
            pltpu.sync_copy(rows_v, acc.at[dst_v.at[j]], add=True)
            return carry

        @pl.when(c == 0)
        def _():
            lax.fori_loop(0, cpw0, body, 0)

        @pl.when(c == 1)
        def _():
            lax.fori_loop(0, cpw1, body, 0)

        plsc.subcore_barrier()
        pltpu.sync_copy(acc.at[pl.ds(row0, rows_per_tile)],
                        out_hbm.at[c, pl.ds(row0, rows_per_tile)])

    return agg_kernel


def _dense_layer_body(x_ref, p0_ref, p1_ref, wa_ref, ba_ref, g_ref, be_ref,
                      wb_ref, bb_ref, o_ref):
    h = p0_ref[...] + p1_ref[...] - x_ref[...]
    t = lax.dot_general(h, wa_ref[...], (((1,), (1,)), ((), ())),
                        preferred_element_type=jnp.float32) + ba_ref[...]
    mu = jnp.mean(t, axis=0, keepdims=True)
    d = t - mu
    var = jnp.mean(d * d, axis=0, keepdims=True)
    hn = d * lax.rsqrt(var + 1e-5) * g_ref[...] + be_ref[...]
    hn = jnp.maximum(hn, 0.0)
    h2 = lax.dot_general(hn, wb_ref[...], (((1,), (1,)), ((), ())),
                         preferred_element_type=jnp.float32) + bb_ref[...]
    o_ref[...] = jnp.maximum(h2, 0.0)


def _head_layer_body(x_ref, p0_ref, p1_ref, wa_ref, ba_ref, g_ref, be_ref,
                     wb_ref, bb_ref, wl1_ref, bl1_ref, wl2_ref, bl2_ref,
                     o_ref):
    h = p0_ref[...] + p1_ref[...] - x_ref[...]
    t = lax.dot_general(h, wa_ref[...], (((1,), (1,)), ((), ())),
                        preferred_element_type=jnp.float32) + ba_ref[...]
    mu = jnp.mean(t, axis=0, keepdims=True)
    d = t - mu
    var = jnp.mean(d * d, axis=0, keepdims=True)
    hn = d * lax.rsqrt(var + 1e-5) * g_ref[...] + be_ref[...]
    hn = jnp.maximum(hn, 0.0)
    h2 = lax.dot_general(hn, wb_ref[...], (((1,), (1,)), ((), ())),
                         preferred_element_type=jnp.float32) + bb_ref[...]
    h2 = jnp.maximum(h2, 0.0)
    h3 = lax.dot_general(h2, wl1_ref[...], (((1,), (1,)), ((), ())),
                         preferred_element_type=jnp.float32) + bl1_ref[...]
    h3 = jnp.maximum(h3, 0.0)
    y = jnp.sum(h3 * wl2_ref[...], axis=1, keepdims=True) + bl2_ref[...]
    o_ref[...] = 1.0 / (1.0 + jnp.exp(-y))


def _gin_dense(x, p0, p1, Wa, ba, g, be, Wb, bb, interpret=False):
    n, f = x.shape
    return pl.pallas_call(
        _dense_layer_body,
        out_shape=jax.ShapeDtypeStruct((n, f), jnp.float32),
        interpret=interpret,
    )(x, p0, p1, Wa, ba.reshape(1, -1), g.reshape(1, -1), be.reshape(1, -1),
      Wb, bb.reshape(1, -1))


def _gin_dense_head(x, p0, p1, Wa, ba, g, be, Wb, bb, Wl1, bl1, Wl2, bl2,
                    interpret=False):
    n, f = x.shape
    return pl.pallas_call(
        _head_layer_body,
        out_shape=jax.ShapeDtypeStruct((n, 1), jnp.float32),
        interpret=interpret,
    )(x, p0, p1, Wa, ba.reshape(1, -1), g.reshape(1, -1), be.reshape(1, -1),
      Wb, bb.reshape(1, -1), Wl1, bl1.reshape(1, -1), Wl2,
      bl2.reshape(1, 1))


def kernel(x, edge_index, W1a, b1a, g1, be1, W1b, b1b, W2a, b2a, g2, be2,
           W2b, b2b, Wl1, bl1, Wl2, bl2):
    n, f = x.shape
    e = edge_index.shape[1]
    cpw0, cpw1 = 52, 105
    assert _NS * _CH * (cpw0 + cpw1) >= e
    e_pad = _NS * _CH * (cpw0 + cpw1)
    chunks = max(cpw0, cpw1)
    e0 = _NS * _CH * cpw0

    def split(idx, fill):
        idx_p = jnp.concatenate(
            [idx, jnp.full((e_pad - e,), fill, jnp.int32)])
        b0 = jnp.pad(idx_p[:e0].reshape(_NS, cpw0, _CH),
                     ((0, 0), (0, chunks - cpw0), (0, 0)),
                     constant_values=fill)
        b1 = jnp.pad(idx_p[e0:].reshape(_NS, cpw1, _CH),
                     ((0, 0), (0, chunks - cpw1), (0, 0)),
                     constant_values=fill)
        return jnp.stack([b0, b1], axis=1).reshape(_NW, chunks, _CH)

    src = split(edge_index[0], 0)
    dst = split(edge_index[1], n)

    n_pad = -(-n // (8 * _NS)) * (8 * _NS)
    agg = _make_sc_agg(n_pad, f, cpw0, cpw1)

    def run_agg(nodes):
        nodes_p = jnp.pad(nodes, ((0, n_pad - n), (0, 0)))
        p = agg(nodes_p, src, dst)
        return p[0, :n], p[1, :n]

    p0, p1 = run_agg(x)
    h1 = _gin_dense(x, p0, p1, W1a, b1a, g1, be1, W1b, b1b)
    q0, q1 = run_agg(h1)
    return _gin_dense_head(h1, q0, q1, W2a, b2a, g2, be2, W2b, b2b,
                           Wl1, bl1, Wl2, bl2)

# --- scband reference (transcript-rebuilt; emitter-appended) ---
"""Pipeline reference for scband-ginregressor-80728205295654 (READ-ONLY COPY).

The authoritative reference and input builder live on the scoring server;
editing this copy changes nothing except your own understanding.
"""

import jax, jax.numpy as jnp
import numpy as np

N = 10000
E = 320000
NF = 128
NH = 128


def _lin_w(k, out_f, in_f):
    return (jax.random.normal(k, (out_f, in_f), dtype=jnp.float32) * (1.0 / np.sqrt(in_f))).astype(jnp.float32)


def setup_inputs(seed: int = 0) -> dict:
    key = jax.random.key(seed)
    ks = jax.random.split(key, 12)
    d = {}
    d["x"] = jax.random.normal(ks[0], (N, NF), dtype=jnp.float32)
    d["edge_index"] = jax.random.randint(ks[1], (2, E), 0, N, dtype=jnp.int32)
    d["W1a"] = _lin_w(ks[2], NH, NF); d["b1a"] = jnp.zeros((NH,), jnp.float32)
    d["g1"] = jnp.ones((NH,), jnp.float32); d["be1"] = jnp.zeros((NH,), jnp.float32)
    d["W1b"] = _lin_w(ks[3], NH, NH); d["b1b"] = jnp.zeros((NH,), jnp.float32)
    d["W2a"] = _lin_w(ks[4], NH, NH); d["b2a"] = jnp.zeros((NH,), jnp.float32)
    d["g2"] = jnp.ones((NH,), jnp.float32); d["be2"] = jnp.zeros((NH,), jnp.float32)
    d["W2b"] = _lin_w(ks[5], NH, NH); d["b2b"] = jnp.zeros((NH,), jnp.float32)
    d["Wl1"] = _lin_w(ks[6], NH, NH); d["bl1"] = jnp.zeros((NH,), jnp.float32)
    d["Wl2"] = _lin_w(ks[7], 1, NH); d["bl2"] = jnp.zeros((1,), jnp.float32)
    return d


def _gin_conv(x, src, dst, Wa, ba, g, be, Wb, bb):
    # GINConv: nn((1 + eps) * x + sum_{j in N(i)} x_j), eps = 0
    agg = jnp.zeros_like(x).at[dst].add(x[src])
    h = x + agg
    h = h @ Wa.T + ba
    mu = jnp.mean(h, axis=0)
    var = jnp.var(h, axis=0)
    h = (h - mu) / jnp.sqrt(var + 1e-5) * g + be
    h = jax.nn.relu(h)
    h = h @ Wb.T + bb
    return jax.nn.relu(h)


def reference(x, edge_index, W1a, b1a, g1, be1, W1b, b1b, W2a, b2a, g2, be2, W2b, b2b, Wl1, bl1, Wl2, bl2):
    src = edge_index[0]
    dst = edge_index[1]
    h = _gin_conv(x, src, dst, W1a, b1a, g1, be1, W1b, b1b)
    h = _gin_conv(h, src, dst, W2a, b2a, g2, be2, W2b, b2b)
    h = jax.nn.relu(h @ Wl1.T + bl1)
    h = h @ Wl2.T + bl2
    return jax.nn.sigmoid(h)

if __name__ == "__main__":
    import jax
    _d = setup_inputs()
    print(jax.jit(kernel)(*tuple(_d.values())))

</pallas_src>

<mosaic_0001>
#map = affine_map<(d0, d1) -> (0, 0)>
#map1 = affine_map<(d0, d1) -> (0, 0, 0)>
module attributes {stable_mosaic.version = 14 : i64} {
  func.func @agg_kernel(%arg0: i32, %arg1: i32, %arg2: memref<10112x128xf32, #tpu.memory_space<hbm>>, %arg3: memref<32x105x128xi32, #tpu.memory_space<hbm>>, %arg4: memref<32x105x128xi32, #tpu.memory_space<hbm>>, %arg5: memref<2x10112x128xf32, #tpu.memory_space<hbm>>, %arg6: memref<105x128xi32, #tpu.memory_space<vmem>>, %arg7: memref<105x128xi32, #tpu.memory_space<vmem>>, %arg8: memref<128x128xf32, #tpu.memory_space<vmem>>, %arg9: memref<10112x128xf32, #tpu.memory_space<vmem_shared>>, %arg10: memref<!tpu.dma_semaphore, #tpu.memory_space<semaphore_mem>>) attributes {dimension_semantics = [#tpu.dimension_semantics<core_parallel>, #tpu.dimension_semantics<subcore_parallel>], iteration_bounds = array<i64: 2, 16>, scalar_prefetch = 0 : i64, scratch_operands = 5 : i64, tpu.core_type = #tpu.core_type<sc_vector_subcore>, window_params = [{transform_indices = #map}, {transform_indices = #map1}, {transform_indices = #map1}, {transform_indices = #map1}]} {
    %mul3A = arith.constant 2 : i32
    %mul3A_0 = arith.muli %arg1, %mul3A : i32
    %add3A = arith.addi %mul3A_0, %arg0 : i32
    "tpu.region"() ({
      %run_scoped3A = tpu.sem_alloc : memref<!tpu.dma_semaphore, #tpu.memory_space<semaphore_mem>>
      %dma_start3A = arith.constant 0 : i32
      %dma_start3A_11 = arith.constant 0 : i32
      %dma_start3A_12 = tpu.memref_slice %arg3[%add3A, %dma_start3A, %dma_start3A_11] : memref<32x105x128xi32, #tpu.memory_space<hbm>> -> memref<1x105x128xi32, #tpu.memory_space<hbm>>
      %dma_start3A_13 = tpu.memref_squeeze %dma_start3A_12 : memref<1x105x128xi32, #tpu.memory_space<hbm>> -> memref<105x128xi32, #tpu.memory_space<hbm>>
      %dma_start3A_14 = arith.constant 0 : i32
      %dma_start3A_15 = arith.constant 0 : i32
      %dma_start3A_16 = tpu.memref_slice %arg3[%add3A, %dma_start3A_14, %dma_start3A_15] : memref<32x105x128xi32, #tpu.memory_space<hbm>> -> memref<1x105x128xi32, #tpu.memory_space<hbm>>
      %dma_start3A_17 = tpu.memref_squeeze %dma_start3A_16 : memref<1x105x128xi32, #tpu.memory_space<hbm>> -> memref<105x128xi32, #tpu.memory_space<hbm>>
      tpu.enqueue_dma source(%dma_start3A_17 : memref<105x128xi32, #tpu.memory_space<hbm>>) target(%arg6 : memref<105x128xi32, #tpu.memory_space<vmem>>) target_semaphore(%run_scoped3A : memref<!tpu.dma_semaphore, #tpu.memory_space<semaphore_mem>>)
      %dma_wait3A = arith.constant 0 : i32
      %dma_wait3A_18 = arith.constant 0 : i32
      %dma_wait3A_19 = tpu.memref_slice %arg3[%add3A, %dma_wait3A, %dma_wait3A_18] : memref<32x105x128xi32, #tpu.memory_space<hbm>> -> memref<1x105x128xi32, #tpu.memory_space<hbm>>
      %dma_wait3A_20 = tpu.memref_squeeze %dma_wait3A_19 : memref<1x105x128xi32, #tpu.memory_space<hbm>> -> memref<105x128xi32, #tpu.memory_space<hbm>>
      %dma_wait3A_21 = arith.constant 0 : i32
      %dma_wait3A_22 = arith.constant 0 : i32
      %dma_wait3A_23 = tpu.memref_slice %arg3[%add3A, %dma_wait3A_21, %dma_wait3A_22] : memref<32x105x128xi32, #tpu.memory_space<hbm>> -> memref<1x105x128xi32, #tpu.memory_space<hbm>>
      %dma_wait3A_24 = tpu.memref_squeeze %dma_wait3A_23 : memref<1x105x128xi32, #tpu.memory_space<hbm>> -> memref<105x128xi32, #tpu.memory_space<hbm>>
      tpu.wait_dma2 semaphore(%run_scoped3A : memref<!tpu.dma_semaphore, #tpu.memory_space<semaphore_mem>>) src(%dma_wait3A_24 : memref<105x128xi32, #tpu.memory_space<hbm>>) dst(%arg6 : memref<105x128xi32, #tpu.memory_space<vmem>>)
      tpu.yield
    }) : () -> ()
    "tpu.region"() ({
      %run_scoped3A = tpu.sem_alloc : memref<!tpu.dma_semaphore, #tpu.memory_space<semaphore_mem>>
      %dma_start3A = arith.constant 0 : i32
      %dma_start3A_11 = arith.constant 0 : i32
      %dma_start3A_12 = tpu.memref_slice %arg4[%add3A, %dma_start3A, %dma_start3A_11] : memref<32x105x128xi32, #tpu.memory_space<hbm>> -> memref<1x105x128xi32, #tpu.memory_space<hbm>>
      %dma_start3A_13 = tpu.memref_squeeze %dma_start3A_12 : memref<1x105x128xi32, #tpu.memory_space<hbm>> -> memref<105x128xi32, #tpu.memory_space<hbm>>
      %dma_start3A_14 = arith.constant 0 : i32
      %dma_start3A_15 = arith.constant 0 : i32
      %dma_start3A_16 = tpu.memref_slice %arg4[%add3A, %dma_start3A_14, %dma_start3A_15] : memref<32x105x128xi32, #tpu.memory_space<hbm>> -> memref<1x105x128xi32, #tpu.memory_space<hbm>>
      %dma_start3A_17 = tpu.memref_squeeze %dma_start3A_16 : memref<1x105x128xi32, #tpu.memory_space<hbm>> -> memref<105x128xi32, #tpu.memory_space<hbm>>
      tpu.enqueue_dma source(%dma_start3A_17 : memref<105x128xi32, #tpu.memory_space<hbm>>) target(%arg7 : memref<105x128xi32, #tpu.memory_space<vmem>>) target_semaphore(%run_scoped3A : memref<!tpu.dma_semaphore, #tpu.memory_space<semaphore_mem>>)
      %dma_wait3A = arith.constant 0 : i32
      %dma_wait3A_18 = arith.constant 0 : i32
      %dma_wait3A_19 = tpu.memref_slice %arg4[%add3A, %dma_wait3A, %dma_wait3A_18] : memref<32x105x128xi32, #tpu.memory_space<hbm>> -> memref<1x105x128xi32, #tpu.memory_space<hbm>>
      %dma_wait3A_20 = tpu.memref_squeeze %dma_wait3A_19 : memref<1x105x128xi32, #tpu.memory_space<hbm>> -> memref<105x128xi32, #tpu.memory_space<hbm>>
      %dma_wait3A_21 = arith.constant 0 : i32
      %dma_wait3A_22 = arith.constant 0 : i32
      %dma_wait3A_23 = tpu.memref_slice %arg4[%add3A, %dma_wait3A_21, %dma_wait3A_22] : memref<32x105x128xi32, #tpu.memory_space<hbm>> -> memref<1x105x128xi32, #tpu.memory_space<hbm>>
      %dma_wait3A_24 = tpu.memref_squeeze %dma_wait3A_23 : memref<1x105x128xi32, #tpu.memory_space<hbm>> -> memref<105x128xi32, #tpu.memory_space<hbm>>
      tpu.wait_dma2 semaphore(%run_scoped3A : memref<!tpu.dma_semaphore, #tpu.memory_space<semaphore_mem>>) src(%dma_wait3A_24 : memref<105x128xi32, #tpu.memory_space<hbm>>) dst(%arg7 : memref<105x128xi32, #tpu.memory_space<vmem>>)
      tpu.yield
    }) : () -> ()
    %mul3A_1 = arith.constant 632 : i32
    %mul3A_2 = arith.muli %arg1, %mul3A_1 : i32
    "tpu.region"() ({
      %run_scoped3A = tpu.sem_alloc : memref<!tpu.dma_semaphore, #tpu.memory_space<semaphore_mem>>
      %dma_start3A = arith.constant 0 : i32
      %dma_start3A_11 = tpu.memref_slice %arg9[%mul3A_2, %dma_start3A] : memref<10112x128xf32, #tpu.memory_space<vmem_shared>> -> memref<632x128xf32, #tpu.memory_space<vmem_shared>>
      %dma_start3A_12 = arith.constant 0 : i32
      %dma_start3A_13 = tpu.memref_slice %arg2[%mul3A_2, %dma_start3A_12] : memref<10112x128xf32, #tpu.memory_space<hbm>> -> memref<632x128xf32, #tpu.memory_space<hbm>>
      tpu.enqueue_dma source(%dma_start3A_13 : memref<632x128xf32, #tpu.memory_space<hbm>>) target(%dma_start3A_11 : memref<632x128xf32, #tpu.memory_space<vmem_shared>>) target_semaphore(%run_scoped3A : memref<!tpu.dma_semaphore, #tpu.memory_space<semaphore_mem>>)
      %dma_wait3A = arith.constant 0 : i32
      %dma_wait3A_14 = tpu.memref_slice %arg9[%mul3A_2, %dma_wait3A] : memref<10112x128xf32, #tpu.memory_space<vmem_shared>> -> memref<632x128xf32, #tpu.memory_space<vmem_shared>>
      %dma_wait3A_15 = arith.constant 0 : i32
      %dma_wait3A_16 = tpu.memref_slice %arg2[%mul3A_2, %dma_wait3A_15] : memref<10112x128xf32, #tpu.memory_space<hbm>> -> memref<632x128xf32, #tpu.memory_space<hbm>>
      tpu.wait_dma2 semaphore(%run_scoped3A : memref<!tpu.dma_semaphore, #tpu.memory_space<semaphore_mem>>) src(%dma_wait3A_16 : memref<632x128xf32, #tpu.memory_space<hbm>>) dst(%dma_wait3A_14 : memref<632x128xf32, #tpu.memory_space<vmem_shared>>)
      tpu.yield
    }) : () -> ()
    %barrier3A = arith.constant 0 : index
    tpu.barrier barrier_id(%barrier3A)
    %eq3A = arith.constant 0 : i32
    %eq3A_3 = arith.cmpi eq, %arg0, %eq3A : i32
    %convert_element_type3A = arith.extui %eq3A_3 : i1 to i32
    %cond3A = arith.constant 0 : i32
    %cond3A_4 = arith.cmpi ne, %convert_element_type3A, %cond3A : i32
    scf.if %cond3A_4 {
      %scan3A = arith.constant 0 : i32
      %scan3A_11 = arith.constant 0 : i32
      %scan3A_12 = arith.constant 52 : i32
      %scan3A_13 = arith.addi %scan3A_11, %scan3A_12 : i32
      %scan3A_14 = arith.constant 1 : i32
      scf.for %scan3A_16 = %scan3A_11 to %scan3A_13 step %scan3A_14  : i32 {
        %dma_start3A = arith.constant 0 : i32
        %dma_start3A_17 = tpu.memref_slice %arg6[%scan3A_16, %dma_start3A] : memref<105x128xi32, #tpu.memory_space<vmem>> -> memref<1x128xi32, #tpu.memory_space<vmem>>
        %dma_start3A_18 = tpu.memref_squeeze %dma_start3A_17 : memref<1x128xi32, #tpu.memory_space<vmem>> -> memref<128xi32, #tpu.memory_space<vmem>>
        %dma_start3A_19 = arith.constant 0 : i32
        %dma_start3A_20 = arith.constant 0 : i32
        %dma_start3A_21 = tpu.memref_slice %arg2[%dma_start3A_19, %dma_start3A_20] : memref<10112x128xf32, #tpu.memory_space<hbm>> -> memref<10112x128xf32, #tpu.memory_space<hbm>>
        tpu.enqueue_indirect_dma source(%dma_start3A_21 : memref<10112x128xf32, #tpu.memory_space<hbm>>) target(%arg8 : memref<128x128xf32, #tpu.memory_space<vmem>>) offsets(%dma_start3A_18 : memref<128xi32, #tpu.memory_space<vmem>>) semaphore(%arg10 : memref<!tpu.dma_semaphore, #tpu.memory_space<semaphore_mem>>)
        %dma_wait3A = arith.constant 0 : i32
        %dma_wait3A_22 = tpu.memref_slice %arg6[%scan3A_16, %dma_wait3A] : memref<105x128xi32, #tpu.memory_space<vmem>> -> memref<1x128xi32, #tpu.memory_space<vmem>>
        %dma_wait3A_23 = tpu.memref_squeeze %dma_wait3A_22 : memref<1x128xi32, #tpu.memory_space<vmem>> -> memref<128xi32, #tpu.memory_space<vmem>>
        %dma_wait3A_24 = arith.constant 0 : i32
        %dma_wait3A_25 = arith.constant 0 : i32
        %dma_wait3A_26 = tpu.memref_slice %arg2[%dma_wait3A_24, %dma_wait3A_25] : memref<10112x128xf32, #tpu.memory_space<hbm>> -> memref<10112x128xf32, #tpu.memory_space<hbm>>
        tpu.wait_indirect_dma semaphore(%arg10 : memref<!tpu.dma_semaphore, #tpu.memory_space<semaphore_mem>>) src(%dma_wait3A_26 : memref<10112x128xf32, #tpu.memory_space<hbm>>) dst(%arg8 : memref<128x128xf32, #tpu.memory_space<vmem>>)
        "tpu.region"() ({
          %run_scoped3A = tpu.sem_alloc : memref<!tpu.dma_semaphore, #tpu.memory_space<semaphore_mem>>
          %dma_start3A_27 = arith.constant 0 : i32
          %dma_start3A_28 = tpu.memref_slice %arg7[%scan3A_16, %dma_start3A_27] : memref<105x128xi32, #tpu.memory_space<vmem>> -> memref<1x128xi32, #tpu.memory_space<vmem>>
          %dma_start3A_29 = tpu.memref_squeeze %dma_start3A_28 : memref<1x128xi32, #tpu.memory_space<vmem>> -> memref<128xi32, #tpu.memory_space<vmem>>
          %dma_start3A_30 = arith.constant 0 : i32
          %dma_start3A_31 = arith.constant 0 : i32
          %dma_start3A_32 = tpu.memref_slice %arg9[%dma_start3A_30, %dma_start3A_31] : memref<10112x128xf32, #tpu.memory_space<vmem_shared>> -> memref<10112x128xf32, #tpu.memory_space<vmem_shared>>
          tpu.enqueue_indirect_dma source(%arg8 : memref<128x128xf32, #tpu.memory_space<vmem>>) target(%dma_start3A_32 : memref<10112x128xf32, #tpu.memory_space<vmem_shared>>) offsets(%dma_start3A_29 : memref<128xi32, #tpu.memory_space<vmem>>) semaphore(%run_scoped3A : memref<!tpu.dma_semaphore, #tpu.memory_space<semaphore_mem>>) {add = true}
          %dma_wait3A_33 = arith.constant 0 : i32
          %dma_wait3A_34 = tpu.memref_slice %arg7[%scan3A_16, %dma_wait3A_33] : memref<105x128xi32, #tpu.memory_space<vmem>> -> memref<1x128xi32, #tpu.memory_space<vmem>>
          %dma_wait3A_35 = tpu.memref_squeeze %dma_wait3A_34 : memref<1x128xi32, #tpu.memory_space<vmem>> -> memref<128xi32, #tpu.memory_space<vmem>>
          %dma_wait3A_36 = arith.constant 0 : i32
          %dma_wait3A_37 = arith.constant 0 : i32
          %dma_wait3A_38 = tpu.memref_slice %arg9[%dma_wait3A_36, %dma_wait3A_37] : memref<10112x128xf32, #tpu.memory_space<vmem_shared>> -> memref<10112x128xf32, #tpu.memory_space<vmem_shared>>
          tpu.wait_indirect_dma semaphore(%run_scoped3A : memref<!tpu.dma_semaphore, #tpu.memory_space<semaphore_mem>>) src(%arg8 : memref<128x128xf32, #tpu.memory_space<vmem>>) dst(%dma_wait3A_38 : memref<10112x128xf32, #tpu.memory_space<vmem_shared>>)
          tpu.yield
        }) : () -> ()
      }
      %scan3A_15 = arith.constant 52 : i32
    } else {
    }
    %eq3A_5 = arith.constant 1 : i32
    %eq3A_6 = arith.cmpi eq, %arg0, %eq3A_5 : i32
    %convert_element_type3A_7 = arith.extui %eq3A_6 : i1 to i32
    %cond3A_8 = arith.constant 0 : i32
    %cond3A_9 = arith.cmpi ne, %convert_element_type3A_7, %cond3A_8 : i32
    scf.if %cond3A_9 {
      %scan3A = arith.constant 0 : i32
      %scan3A_11 = arith.constant 0 : i32
      %scan3A_12 = arith.constant 105 : i32
      %scan3A_13 = arith.addi %scan3A_11, %scan3A_12 : i32
      %scan3A_14 = arith.constant 1 : i32
      scf.for %scan3A_16 = %scan3A_11 to %scan3A_13 step %scan3A_14  : i32 {
        %dma_start3A = arith.constant 0 : i32
        %dma_start3A_17 = tpu.memref_slice %arg6[%scan3A_16, %dma_start3A] : memref<105x128xi32, #tpu.memory_space<vmem>> -> memref<1x128xi32, #tpu.memory_space<vmem>>
        %dma_start3A_18 = tpu.memref_squeeze %dma_start3A_17 : memref<1x128xi32, #tpu.memory_space<vmem>> -> memref<128xi32, #tpu.memory_space<vmem>>
        %dma_start3A_19 = arith.constant 0 : i32
        %dma_start3A_20 = arith.constant 0 : i32
        %dma_start3A_21 = tpu.memref_slice %arg2[%dma_start3A_19, %dma_start3A_20] : memref<10112x128xf32, #tpu.memory_space<hbm>> -> memref<10112x128xf32, #tpu.memory_space<hbm>>
        tpu.enqueue_indirect_dma source(%dma_start3A_21 : memref<10112x128xf32, #tpu.memory_space<hbm>>) target(%arg8 : memref<128x128xf32, #tpu.memory_space<vmem>>) offsets(%dma_start3A_18 : memref<128xi32, #tpu.memory_space<vmem>>) semaphore(%arg10 : memref<!tpu.dma_semaphore, #tpu.memory_space<semaphore_mem>>)
        %dma_wait3A = arith.constant 0 : i32
        %dma_wait3A_22 = tpu.memref_slice %arg6[%scan3A_16, %dma_wait3A] : memref<105x128xi32, #tpu.memory_space<vmem>> -> memref<1x128xi32, #tpu.memory_space<vmem>>
        %dma_wait3A_23 = tpu.memref_squeeze %dma_wait3A_22 : memref<1x128xi32, #tpu.memory_space<vmem>> -> memref<128xi32, #tpu.memory_space<vmem>>
        %dma_wait3A_24 = arith.constant 0 : i32
        %dma_wait3A_25 = arith.constant 0 : i32
        %dma_wait3A_26 = tpu.memref_slice %arg2[%dma_wait3A_24, %dma_wait3A_25] : memref<10112x128xf32, #tpu.memory_space<hbm>> -> memref<10112x128xf32, #tpu.memory_space<hbm>>
        tpu.wait_indirect_dma semaphore(%arg10 : memref<!tpu.dma_semaphore, #tpu.memory_space<semaphore_mem>>) src(%dma_wait3A_26 : memref<10112x128xf32, #tpu.memory_space<hbm>>) dst(%arg8 : memref<128x128xf32, #tpu.memory_space<vmem>>)
        "tpu.region"() ({
          %run_scoped3A = tpu.sem_alloc : memref<!tpu.dma_semaphore, #tpu.memory_space<semaphore_mem>>
          %dma_start3A_27 = arith.constant 0 : i32
          %dma_start3A_28 = tpu.memref_slice %arg7[%scan3A_16, %dma_start3A_27] : memref<105x128xi32, #tpu.memory_space<vmem>> -> memref<1x128xi32, #tpu.memory_space<vmem>>
          %dma_start3A_29 = tpu.memref_squeeze %dma_start3A_28 : memref<1x128xi32, #tpu.memory_space<vmem>> -> memref<128xi32, #tpu.memory_space<vmem>>
          %dma_start3A_30 = arith.constant 0 : i32
          %dma_start3A_31 = arith.constant 0 : i32
          %dma_start3A_32 = tpu.memref_slice %arg9[%dma_start3A_30, %dma_start3A_31] : memref<10112x128xf32, #tpu.memory_space<vmem_shared>> -> memref<10112x128xf32, #tpu.memory_space<vmem_shared>>
          tpu.enqueue_indirect_dma source(%arg8 : memref<128x128xf32, #tpu.memory_space<vmem>>) target(%dma_start3A_32 : memref<10112x128xf32, #tpu.memory_space<vmem_shared>>) offsets(%dma_start3A_29 : memref<128xi32, #tpu.memory_space<vmem>>) semaphore(%run_scoped3A : memref<!tpu.dma_semaphore, #tpu.memory_space<semaphore_mem>>) {add = true}
          %dma_wait3A_33 = arith.constant 0 : i32
          %dma_wait3A_34 = tpu.memref_slice %arg7[%scan3A_16, %dma_wait3A_33] : memref<105x128xi32, #tpu.memory_space<vmem>> -> memref<1x128xi32, #tpu.memory_space<vmem>>
          %dma_wait3A_35 = tpu.memref_squeeze %dma_wait3A_34 : memref<1x128xi32, #tpu.memory_space<vmem>> -> memref<128xi32, #tpu.memory_space<vmem>>
          %dma_wait3A_36 = arith.constant 0 : i32
          %dma_wait3A_37 = arith.constant 0 : i32
          %dma_wait3A_38 = tpu.memref_slice %arg9[%dma_wait3A_36, %dma_wait3A_37] : memref<10112x128xf32, #tpu.memory_space<vmem_shared>> -> memref<10112x128xf32, #tpu.memory_space<vmem_shared>>
          tpu.wait_indirect_dma semaphore(%run_scoped3A : memref<!tpu.dma_semaphore, #tpu.memory_space<semaphore_mem>>) src(%arg8 : memref<128x128xf32, #tpu.memory_space<vmem>>) dst(%dma_wait3A_38 : memref<10112x128xf32, #tpu.memory_space<vmem_shared>>)
          tpu.yield
        }) : () -> ()
      }
      %scan3A_15 = arith.constant 105 : i32
    } else {
    }
    %barrier3A_10 = arith.constant 0 : index
    tpu.barrier barrier_id(%barrier3A_10)
    "tpu.region"() ({
      %run_scoped3A = tpu.sem_alloc : memref<!tpu.dma_semaphore, #tpu.memory_space<semaphore_mem>>
      %dma_start3A = arith.constant 0 : i32
      %dma_start3A_11 = tpu.memref_slice %arg5[%arg0, %mul3A_2, %dma_start3A] : memref<2x10112x128xf32, #tpu.memory_space<hbm>> -> memref<1x632x128xf32, #tpu.memory_space<hbm>>
      %dma_start3A_12 = tpu.memref_squeeze %dma_start3A_11 : memref<1x632x128xf32, #tpu.memory_space<hbm>> -> memref<632x128xf32, #tpu.memory_space<hbm>>
      %dma_start3A_13 = arith.constant 0 : i32
      %dma_start3A_14 = tpu.memref_slice %arg9[%mul3A_2, %dma_start3A_13] : memref<10112x128xf32, #tpu.memory_space<vmem_shared>> -> memref<632x128xf32, #tpu.memory_space<vmem_shared>>
      tpu.enqueue_dma source(%dma_start3A_14 : memref<632x128xf32, #tpu.memory_space<vmem_shared>>) target(%dma_start3A_12 : memref<632x128xf32, #tpu.memory_space<hbm>>) target_semaphore(%run_scoped3A : memref<!tpu.dma_semaphore, #tpu.memory_space<semaphore_mem>>)
      %dma_wait3A = arith.constant 0 : i32
      %dma_wait3A_15 = tpu.memref_slice %arg5[%arg0, %mul3A_2, %dma_wait3A] : memref<2x10112x128xf32, #tpu.memory_space<hbm>> -> memref<1x632x128xf32, #tpu.memory_space<hbm>>
      %dma_wait3A_16 = tpu.memref_squeeze %dma_wait3A_15 : memref<1x632x128xf32, #tpu.memory_space<hbm>> -> memref<632x128xf32, #tpu.memory_space<hbm>>
      %dma_wait3A_17 = arith.constant 0 : i32
      %dma_wait3A_18 = tpu.memref_slice %arg9[%mul3A_2, %dma_wait3A_17] : memref<10112x128xf32, #tpu.memory_space<vmem_shared>> -> memref<632x128xf32, #tpu.memory_space<vmem_shared>>
      tpu.wait_dma2 semaphore(%run_scoped3A : memref<!tpu.dma_semaphore, #tpu.memory_space<semaphore_mem>>) src(%dma_wait3A_18 : memref<632x128xf32, #tpu.memory_space<vmem_shared>>) dst(%dma_wait3A_16 : memref<632x128xf32, #tpu.memory_space<hbm>>)
      tpu.yield
    }) : () -> ()
    return
  }
}

#map = affine_map<(d0, d1) -> (0, 0)>
#map1 = affine_map<(d0, d1) -> (0, 0, 0)>
module attributes {stable_mosaic.version = 14 : i64} {
  func.func @agg_kernel(%arg0: i32, %arg1: i32, %arg2: memref<10112x128xf32, #tpu.memory_space<hbm>>, %arg3: memref<32x105x128xi32, #tpu.memory_space<hbm>>, %arg4: memref<32x105x128xi32, #tpu.memory_space<hbm>>, %arg5: memref<2x10112x128xf32, #tpu.memory_space<hbm>>, %arg6: memref<105x128xi32, #tpu.memory_space<vmem>>, %arg7: memref<105x128xi32, #tpu.memory_space<vmem>>, %arg8: memref<128x128xf32, #tpu.memory_space<vmem>>, %arg9: memref<10112x128xf32, #tpu.memory_space<vmem_shared>>, %arg10: memref<!tpu.dma_semaphore, #tpu.memory_space<semaphore_mem>>) attributes {dimension_semantics = [#tpu.dimension_semantics<core_parallel>, #tpu.dimension_semantics<subcore_parallel>], iteration_bounds = array<i64: 2, 16>, scalar_prefetch = 0 : i64, scratch_operands = 5 : i64, tpu.core_type = #tpu.core_type<sc_vector_subcore>, window_params = [{transform_indices = #map}, {transform_indices = #map1}, {transform_indices = #map1}, {transform_indices = #map1}]} {
    %mul3A = arith.constant 2 : i32
    %mul3A_0 = arith.muli %arg1, %mul3A : i32
    %add3A = arith.addi %mul3A_0, %arg0 : i32
    "tpu.region"() ({
      %run_scoped3A = tpu.sem_alloc : memref<!tpu.dma_semaphore, #tpu.memory_space<semaphore_mem>>
      %dma_start3A = arith.constant 0 : i32
      %dma_start3A_11 = arith.constant 0 : i32
      %dma_start3A_12 = tpu.memref_slice %arg3[%add3A, %dma_start3A, %dma_start3A_11] : memref<32x105x128xi32, #tpu.memory_space<hbm>> -> memref<1x105x128xi32, #tpu.memory_space<hbm>>
      %dma_start3A_13 = tpu.memref_squeeze %dma_start3A_12 : memref<1x105x128xi32, #tpu.memory_space<hbm>> -> memref<105x128xi32, #tpu.memory_space<hbm>>
      %dma_start3A_14 = arith.constant 0 : i32
      %dma_start3A_15 = arith.constant 0 : i32
      %dma_start3A_16 = tpu.memref_slice %arg3[%add3A, %dma_start3A_14, %dma_start3A_15] : memref<32x105x128xi32, #tpu.memory_space<hbm>> -> memref<1x105x128xi32, #tpu.memory_space<hbm>>
      %dma_start3A_17 = tpu.memref_squeeze %dma_start3A_16 : memref<1x105x128xi32, #tpu.memory_space<hbm>> -> memref<105x128xi32, #tpu.memory_space<hbm>>
      tpu.enqueue_dma source(%dma_start3A_17 : memref<105x128xi32, #tpu.memory_space<hbm>>) target(%arg6 : memref<105x128xi32, #tpu.memory_space<vmem>>) target_semaphore(%run_scoped3A : memref<!tpu.dma_semaphore, #tpu.memory_space<semaphore_mem>>)
      %dma_wait3A = arith.constant 0 : i32
      %dma_wait3A_18 = arith.constant 0 : i32
      %dma_wait3A_19 = tpu.memref_slice %arg3[%add3A, %dma_wait3A, %dma_wait3A_18] : memref<32x105x128xi32, #tpu.memory_space<hbm>> -> memref<1x105x128xi32, #tpu.memory_space<hbm>>
      %dma_wait3A_20 = tpu.memref_squeeze %dma_wait3A_19 : memref<1x105x128xi32, #tpu.memory_space<hbm>> -> memref<105x128xi32, #tpu.memory_space<hbm>>
      %dma_wait3A_21 = arith.constant 0 : i32
      %dma_wait3A_22 = arith.constant 0 : i32
      %dma_wait3A_23 = tpu.memref_slice %arg3[%add3A, %dma_wait3A_21, %dma_wait3A_22] : memref<32x105x128xi32, #tpu.memory_space<hbm>> -> memref<1x105x128xi32, #tpu.memory_space<hbm>>
      %dma_wait3A_24 = tpu.memref_squeeze %dma_wait3A_23 : memref<1x105x128xi32, #tpu.memory_space<hbm>> -> memref<105x128xi32, #tpu.memory_space<hbm>>
      tpu.wait_dma2 semaphore(%run_scoped3A : memref<!tpu.dma_semaphore, #tpu.memory_space<semaphore_mem>>) src(%dma_wait3A_24 : memref<105x128xi32, #tpu.memory_space<hbm>>) dst(%arg6 : memref<105x128xi32, #tpu.memory_space<vmem>>)
      tpu.yield
    }) : () -> ()
    "tpu.region"() ({
      %run_scoped3A = tpu.sem_alloc : memref<!tpu.dma_semaphore, #tpu.memory_space<semaphore_mem>>
      %dma_start3A = arith.constant 0 : i32
      %dma_start3A_11 = arith.constant 0 : i32
      %dma_start3A_12 = tpu.memref_slice %arg4[%add3A, %dma_start3A, %dma_start3A_11] : memref<32x105x128xi32, #tpu.memory_space<hbm>> -> memref<1x105x128xi32, #tpu.memory_space<hbm>>
      %dma_start3A_13 = tpu.memref_squeeze %dma_start3A_12 : memref<1x105x128xi32, #tpu.memory_space<hbm>> -> memref<105x128xi32, #tpu.memory_space<hbm>>
      %dma_start3A_14 = arith.constant 0 : i32
      %dma_start3A_15 = arith.constant 0 : i32
      %dma_start3A_16 = tpu.memref_slice %arg4[%add3A, %dma_start3A_14, %dma_start3A_15] : memref<32x105x128xi32, #tpu.memory_space<hbm>> -> memref<1x105x128xi32, #tpu.memory_space<hbm>>
      %dma_start3A_17 = tpu.memref_squeeze %dma_start3A_16 : memref<1x105x128xi32, #tpu.memory_space<hbm>> -> memref<105x128xi32, #tpu.memory_space<hbm>>
      tpu.enqueue_dma source(%dma_start3A_17 : memref<105x128xi32, #tpu.memory_space<hbm>>) target(%arg7 : memref<105x128xi32, #tpu.memory_space<vmem>>) target_semaphore(%run_scoped3A : memref<!tpu.dma_semaphore, #tpu.memory_space<semaphore_mem>>)
      %dma_wait3A = arith.constant 0 : i32
      %dma_wait3A_18 = arith.constant 0 : i32
      %dma_wait3A_19 = tpu.memref_slice %arg4[%add3A, %dma_wait3A, %dma_wait3A_18] : memref<32x105x128xi32, #tpu.memory_space<hbm>> -> memref<1x105x128xi32, #tpu.memory_space<hbm>>
      %dma_wait3A_20 = tpu.memref_squeeze %dma_wait3A_19 : memref<1x105x128xi32, #tpu.memory_space<hbm>> -> memref<105x128xi32, #tpu.memory_space<hbm>>
      %dma_wait3A_21 = arith.constant 0 : i32
      %dma_wait3A_22 = arith.constant 0 : i32
      %dma_wait3A_23 = tpu.memref_slice %arg4[%add3A, %dma_wait3A_21, %dma_wait3A_22] : memref<32x105x128xi32, #tpu.memory_space<hbm>> -> memref<1x105x128xi32, #tpu.memory_space<hbm>>
      %dma_wait3A_24 = tpu.memref_squeeze %dma_wait3A_23 : memref<1x105x128xi32, #tpu.memory_space<hbm>> -> memref<105x128xi32, #tpu.memory_space<hbm>>
      tpu.wait_dma2 semaphore(%run_scoped3A : memref<!tpu.dma_semaphore, #tpu.memory_space<semaphore_mem>>) src(%dma_wait3A_24 : memref<105x128xi32, #tpu.memory_space<hbm>>) dst(%arg7 : memref<105x128xi32, #tpu.memory_space<vmem>>)
      tpu.yield
    }) : () -> ()
    %mul3A_1 = arith.constant 632 : i32
    %mul3A_2 = arith.muli %arg1, %mul3A_1 : i32
    "tpu.region"() ({
      %run_scoped3A = tpu.sem_alloc : memref<!tpu.dma_semaphore, #tpu.memory_space<semaphore_mem>>
      %dma_start3A = arith.constant 0 : i32
      %dma_start3A_11 = tpu.memref_slice %arg9[%mul3A_2, %dma_start3A] : memref<10112x128xf32, #tpu.memory_space<vmem_shared>> -> memref<632x128xf32, #tpu.memory_space<vmem_shared>>
      %dma_start3A_12 = arith.constant 0 : i32
      %dma_start3A_13 = tpu.memref_slice %arg2[%mul3A_2, %dma_start3A_12] : memref<10112x128xf32, #tpu.memory_space<hbm>> -> memref<632x128xf32, #tpu.memory_space<hbm>>
      tpu.enqueue_dma source(%dma_start3A_13 : memref<632x128xf32, #tpu.memory_space<hbm>>) target(%dma_start3A_11 : memref<632x128xf32, #tpu.memory_space<vmem_shared>>) target_semaphore(%run_scoped3A : memref<!tpu.dma_semaphore, #tpu.memory_space<semaphore_mem>>)
      %dma_wait3A = arith.constant 0 : i32
      %dma_wait3A_14 = tpu.memref_slice %arg9[%mul3A_2, %dma_wait3A] : memref<10112x128xf32, #tpu.memory_space<vmem_shared>> -> memref<632x128xf32, #tpu.memory_space<vmem_shared>>
      %dma_wait3A_15 = arith.constant 0 : i32
      %dma_wait3A_16 = tpu.memref_slice %arg2[%mul3A_2, %dma_wait3A_15] : memref<10112x128xf32, #tpu.memory_space<hbm>> -> memref<632x128xf32, #tpu.memory_space<hbm>>
      tpu.wait_dma2 semaphore(%run_scoped3A : memref<!tpu.dma_semaphore, #tpu.memory_space<semaphore_mem>>) src(%dma_wait3A_16 : memref<632x128xf32, #tpu.memory_space<hbm>>) dst(%dma_wait3A_14 : memref<632x128xf32, #tpu.memory_space<vmem_shared>>)
      tpu.yield
    }) : () -> ()
    %barrier3A = arith.constant 0 : index
    tpu.barrier barrier_id(%barrier3A)
    %eq3A = arith.constant 0 : i32
    %eq3A_3 = arith.cmpi eq, %arg0, %eq3A : i32
    %convert_element_type3A = arith.extui %eq3A_3 : i1 to i32
    %cond3A = arith.constant 0 : i32
    %cond3A_4 = arith.cmpi ne, %convert_element_type3A, %cond3A : i32
    scf.if %cond3A_4 {
      %scan3A = arith.constant 0 : i32
      %scan3A_11 = arith.constant 0 : i32
      %scan3A_12 = arith.constant 52 : i32
      %scan3A_13 = arith.addi %scan3A_11, %scan3A_12 : i32
      %scan3A_14 = arith.constant 1 : i32
      scf.for %scan3A_16 = %scan3A_11 to %scan3A_13 step %scan3A_14  : i32 {
        %dma_start3A = arith.constant 0 : i32
        %dma_start3A_17 = tpu.memref_slice %arg6[%scan3A_16, %dma_start3A] : memref<105x128xi32, #tpu.memory_space<vmem>> -> memref<1x128xi32, #tpu.memory_space<vmem>>
        %dma_start3A_18 = tpu.memref_squeeze %dma_start3A_17 : memref<1x128xi32, #tpu.memory_space<vmem>> -> memref<128xi32, #tpu.memory_space<vmem>>
        %dma_start3A_19 = arith.constant 0 : i32
        %dma_start3A_20 = arith.constant 0 : i32
        %dma_start3A_21 = tpu.memref_slice %arg2[%dma_start3A_19, %dma_start3A_20] : memref<10112x128xf32, #tpu.memory_space<hbm>> -> memref<10112x128xf32, #tpu.memory_space<hbm>>
        tpu.enqueue_indirect_dma source(%dma_start3A_21 : memref<10112x128xf32, #tpu.memory_space<hbm>>) target(%arg8 : memref<128x128xf32, #tpu.memory_space<vmem>>) offsets(%dma_start3A_18 : memref<128xi32, #tpu.memory_space<vmem>>) semaphore(%arg10 : memref<!tpu.dma_semaphore, #tpu.memory_space<semaphore_mem>>)
        %dma_wait3A = arith.constant 0 : i32
        %dma_wait3A_22 = tpu.memref_slice %arg6[%scan3A_16, %dma_wait3A] : memref<105x128xi32, #tpu.memory_space<vmem>> -> memref<1x128xi32, #tpu.memory_space<vmem>>
        %dma_wait3A_23 = tpu.memref_squeeze %dma_wait3A_22 : memref<1x128xi32, #tpu.memory_space<vmem>> -> memref<128xi32, #tpu.memory_space<vmem>>
        %dma_wait3A_24 = arith.constant 0 : i32
        %dma_wait3A_25 = arith.constant 0 : i32
        %dma_wait3A_26 = tpu.memref_slice %arg2[%dma_wait3A_24, %dma_wait3A_25] : memref<10112x128xf32, #tpu.memory_space<hbm>> -> memref<10112x128xf32, #tpu.memory_space<hbm>>
        tpu.wait_indirect_dma semaphore(%arg10 : memref<!tpu.dma_semaphore, #tpu.memory_space<semaphore_mem>>) src(%dma_wait3A_26 : memref<10112x128xf32, #tpu.memory_space<hbm>>) dst(%arg8 : memref<128x128xf32, #tpu.memory_space<vmem>>)
        "tpu.region"() ({
          %run_scoped3A = tpu.sem_alloc : memref<!tpu.dma_semaphore, #tpu.memory_space<semaphore_mem>>
          %dma_start3A_27 = arith.constant 0 : i32
          %dma_start3A_28 = tpu.memref_slice %arg7[%scan3A_16, %dma_start3A_27] : memref<105x128xi32, #tpu.memory_space<vmem>> -> memref<1x128xi32, #tpu.memory_space<vmem>>
          %dma_start3A_29 = tpu.memref_squeeze %dma_start3A_28 : memref<1x128xi32, #tpu.memory_space<vmem>> -> memref<128xi32, #tpu.memory_space<vmem>>
          %dma_start3A_30 = arith.constant 0 : i32
          %dma_start3A_31 = arith.constant 0 : i32
          %dma_start3A_32 = tpu.memref_slice %arg9[%dma_start3A_30, %dma_start3A_31] : memref<10112x128xf32, #tpu.memory_space<vmem_shared>> -> memref<10112x128xf32, #tpu.memory_space<vmem_shared>>
          tpu.enqueue_indirect_dma source(%arg8 : memref<128x128xf32, #tpu.memory_space<vmem>>) target(%dma_start3A_32 : memref<10112x128xf32, #tpu.memory_space<vmem_shared>>) offsets(%dma_start3A_29 : memref<128xi32, #tpu.memory_space<vmem>>) semaphore(%run_scoped3A : memref<!tpu.dma_semaphore, #tpu.memory_space<semaphore_mem>>) {add = true}
          %dma_wait3A_33 = arith.constant 0 : i32
          %dma_wait3A_34 = tpu.memref_slice %arg7[%scan3A_16, %dma_wait3A_33] : memref<105x128xi32, #tpu.memory_space<vmem>> -> memref<1x128xi32, #tpu.memory_space<vmem>>
          %dma_wait3A_35 = tpu.memref_squeeze %dma_wait3A_34 : memref<1x128xi32, #tpu.memory_space<vmem>> -> memref<128xi32, #tpu.memory_space<vmem>>
          %dma_wait3A_36 = arith.constant 0 : i32
          %dma_wait3A_37 = arith.constant 0 : i32
          %dma_wait3A_38 = tpu.memref_slice %arg9[%dma_wait3A_36, %dma_wait3A_37] : memref<10112x128xf32, #tpu.memory_space<vmem_shared>> -> memref<10112x128xf32, #tpu.memory_space<vmem_shared>>
          tpu.wait_indirect_dma semaphore(%run_scoped3A : memref<!tpu.dma_semaphore, #tpu.memory_space<semaphore_mem>>) src(%arg8 : memref<128x128xf32, #tpu.memory_space<vmem>>) dst(%dma_wait3A_38 : memref<10112x128xf32, #tpu.memory_space<vmem_shared>>)
          tpu.yield
        }) : () -> ()
      }
      %scan3A_15 = arith.constant 52 : i32
    } else {
    }
    %eq3A_5 = arith.constant 1 : i32
    %eq3A_6 = arith.cmpi eq, %arg0, %eq3A_5 : i32
    %convert_element_type3A_7 = arith.extui %eq3A_6 : i1 to i32
    %cond3A_8 = arith.constant 0 : i32
    %cond3A_9 = arith.cmpi ne, %convert_element_type3A_7, %cond3A_8 : i32
    scf.if %cond3A_9 {
      %scan3A = arith.constant 0 : i32
      %scan3A_11 = arith.constant 0 : i32
      %scan3A_12 = arith.constant 105 : i32
      %scan3A_13 = arith.addi %scan3A_11, %scan3A_12 : i32
      %scan3A_14 = arith.constant 1 : i32
      scf.for %scan3A_16 = %scan3A_11 to %scan3A_13 step %scan3A_14  : i32 {
        %dma_start3A = arith.constant 0 : i32
        %dma_start3A_17 = tpu.memref_slice %arg6[%scan3A_16, %dma_start3A] : memref<105x128xi32, #tpu.memory_space<vmem>> -> memref<1x128xi32, #tpu.memory_space<vmem>>
        %dma_start3A_18 = tpu.memref_squeeze %dma_start3A_17 : memref<1x128xi32, #tpu.memory_space<vmem>> -> memref<128xi32, #tpu.memory_space<vmem>>
        %dma_start3A_19 = arith.constant 0 : i32
        %dma_start3A_20 = arith.constant 0 : i32
        %dma_start3A_21 = tpu.memref_slice %arg2[%dma_start3A_19, %dma_start3A_20] : memref<10112x128xf32, #tpu.memory_space<hbm>> -> memref<10112x128xf32, #tpu.memory_space<hbm>>
        tpu.enqueue_indirect_dma source(%dma_start3A_21 : memref<10112x128xf32, #tpu.memory_space<hbm>>) target(%arg8 : memref<128x128xf32, #tpu.memory_space<vmem>>) offsets(%dma_start3A_18 : memref<128xi32, #tpu.memory_space<vmem>>) semaphore(%arg10 : memref<!tpu.dma_semaphore, #tpu.memory_space<semaphore_mem>>)
        %dma_wait3A = arith.constant 0 : i32
        %dma_wait3A_22 = tpu.memref_slice %arg6[%scan3A_16, %dma_wait3A] : memref<105x128xi32, #tpu.memory_space<vmem>> -> memref<1x128xi32, #tpu.memory_space<vmem>>
        %dma_wait3A_23 = tpu.memref_squeeze %dma_wait3A_22 : memref<1x128xi32, #tpu.memory_space<vmem>> -> memref<128xi32, #tpu.memory_space<vmem>>
        %dma_wait3A_24 = arith.constant 0 : i32
        %dma_wait3A_25 = arith.constant 0 : i32
        %dma_wait3A_26 = tpu.memref_slice %arg2[%dma_wait3A_24, %dma_wait3A_25] : memref<10112x128xf32, #tpu.memory_space<hbm>> -> memref<10112x128xf32, #tpu.memory_space<hbm>>
        tpu.wait_indirect_dma semaphore(%arg10 : memref<!tpu.dma_semaphore, #tpu.memory_space<semaphore_mem>>) src(%dma_wait3A_26 : memref<10112x128xf32, #tpu.memory_space<hbm>>) dst(%arg8 : memref<128x128xf32, #tpu.memory_space<vmem>>)
        "tpu.region"() ({
          %run_scoped3A = tpu.sem_alloc : memref<!tpu.dma_semaphore, #tpu.memory_space<semaphore_mem>>
          %dma_start3A_27 = arith.constant 0 : i32
          %dma_start3A_28 = tpu.memref_slice %arg7[%scan3A_16, %dma_start3A_27] : memref<105x128xi32, #tpu.memory_space<vmem>> -> memref<1x128xi32, #tpu.memory_space<vmem>>
          %dma_start3A_29 = tpu.memref_squeeze %dma_start3A_28 : memref<1x128xi32, #tpu.memory_space<vmem>> -> memref<128xi32, #tpu.memory_space<vmem>>
          %dma_start3A_30 = arith.constant 0 : i32
          %dma_start3A_31 = arith.constant 0 : i32
          %dma_start3A_32 = tpu.memref_slice %arg9[%dma_start3A_30, %dma_start3A_31] : memref<10112x128xf32, #tpu.memory_space<vmem_shared>> -> memref<10112x128xf32, #tpu.memory_space<vmem_shared>>
          tpu.enqueue_indirect_dma source(%arg8 : memref<128x128xf32, #tpu.memory_space<vmem>>) target(%dma_start3A_32 : memref<10112x128xf32, #tpu.memory_space<vmem_shared>>) offsets(%dma_start3A_29 : memref<128xi32, #tpu.memory_space<vmem>>) semaphore(%run_scoped3A : memref<!tpu.dma_semaphore, #tpu.memory_space<semaphore_mem>>) {add = true}
          %dma_wait3A_33 = arith.constant 0 : i32
          %dma_wait3A_34 = tpu.memref_slice %arg7[%scan3A_16, %dma_wait3A_33] : memref<105x128xi32, #tpu.memory_space<vmem>> -> memref<1x128xi32, #tpu.memory_space<vmem>>
          %dma_wait3A_35 = tpu.memref_squeeze %dma_wait3A_34 : memref<1x128xi32, #tpu.memory_space<vmem>> -> memref<128xi32, #tpu.memory_space<vmem>>
          %dma_wait3A_36 = arith.constant 0 : i32
          %dma_wait3A_37 = arith.constant 0 : i32
          %dma_wait3A_38 = tpu.memref_slice %arg9[%dma_wait3A_36, %dma_wait3A_37] : memref<10112x128xf32, #tpu.memory_space<vmem_shared>> -> memref<10112x128xf32, #tpu.memory_space<vmem_shared>>
          tpu.wait_indirect_dma semaphore(%run_scoped3A : memref<!tpu.dma_semaphore, #tpu.memory_space<semaphore_mem>>) src(%arg8 : memref<128x128xf32, #tpu.memory_space<vmem>>) dst(%dma_wait3A_38 : memref<10112x128xf32, #tpu.memory_space<vmem_shared>>)
          tpu.yield
        }) : () -> ()
      }
      %scan3A_15 = arith.constant 105 : i32
    } else {
    }
    %barrier3A_10 = arith.constant 0 : index
    tpu.barrier barrier_id(%barrier3A_10)
    "tpu.region"() ({
      %run_scoped3A = tpu.sem_alloc : memref<!tpu.dma_semaphore, #tpu.memory_space<semaphore_mem>>
      %dma_start3A = arith.constant 0 : i32
      %dma_start3A_11 = tpu.memref_slice %arg5[%arg0, %mul3A_2, %dma_start3A] : memref<2x10112x128xf32, #tpu.memory_space<hbm>> -> memref<1x632x128xf32, #tpu.memory_space<hbm>>
      %dma_start3A_12 = tpu.memref_squeeze %dma_start3A_11 : memref<1x632x128xf32, #tpu.memory_space<hbm>> -> memref<632x128xf32, #tpu.memory_space<hbm>>
      %dma_start3A_13 = arith.constant 0 : i32
      %dma_start3A_14 = tpu.memref_slice %arg9[%mul3A_2, %dma_start3A_13] : memref<10112x128xf32, #tpu.memory_space<vmem_shared>> -> memref<632x128xf32, #tpu.memory_space<vmem_shared>>
      tpu.enqueue_dma source(%dma_start3A_14 : memref<632x128xf32, #tpu.memory_space<vmem_shared>>) target(%dma_start3A_12 : memref<632x128xf32, #tpu.memory_space<hbm>>) target_semaphore(%run_scoped3A : memref<!tpu.dma_semaphore, #tpu.memory_space<semaphore_mem>>)
      %dma_wait3A = arith.constant 0 : i32
      %dma_wait3A_15 = tpu.memref_slice %arg5[%arg0, %mul3A_2, %dma_wait3A] : memref<2x10112x128xf32, #tpu.memory_space<hbm>> -> memref<1x632x128xf32, #tpu.memory_space<hbm>>
      %dma_wait3A_16 = tpu.memref_squeeze %dma_wait3A_15 : memref<1x632x128xf32, #tpu.memory_space<hbm>> -> memref<632x128xf32, #tpu.memory_space<hbm>>
      %dma_wait3A_17 = arith.constant 0 : i32
      %dma_wait3A_18 = tpu.memref_slice %arg9[%mul3A_2, %dma_wait3A_17] : memref<10112x128xf32, #tpu.memory_space<vmem_shared>> -> memref<632x128xf32, #tpu.memory_space<vmem_shared>>
      tpu.wait_dma2 semaphore(%run_scoped3A : memref<!tpu.dma_semaphore, #tpu.memory_space<semaphore_mem>>) src(%dma_wait3A_18 : memref<632x128xf32, #tpu.memory_space<vmem_shared>>) dst(%dma_wait3A_16 : memref<632x128xf32, #tpu.memory_space<hbm>>)
      tpu.yield
    }) : () -> ()
    return
  }
}

module attributes {stable_mosaic.version = 14 : i64} {
  func.func @_dense_layer_body(%arg0: memref<10000x128xf32, #tpu.memory_space<vmem>>, %arg1: memref<10000x128xf32, #tpu.memory_space<vmem>>, %arg2: memref<10000x128xf32, #tpu.memory_space<vmem>>, %arg3: memref<128x128xf32, #tpu.memory_space<vmem>>, %arg4: memref<1x128xf32, #tpu.memory_space<vmem>>, %arg5: memref<1x128xf32, #tpu.memory_space<vmem>>, %arg6: memref<1x128xf32, #tpu.memory_space<vmem>>, %arg7: memref<128x128xf32, #tpu.memory_space<vmem>>, %arg8: memref<1x128xf32, #tpu.memory_space<vmem>>, %arg9: memref<10000x128xf32, #tpu.memory_space<vmem>>) attributes {dimension_semantics = [], scalar_prefetch = 0 : i64, scratch_operands = 0 : i64, tpu.core_type = #tpu.core_type<tc>} {
    %get3A = arith.constant 0 : index
    %get3A_0 = arith.constant 0 : index
    %get3A_1 = vector.load %arg1[%get3A, %get3A_0] : memref<10000x128xf32, #tpu.memory_space<vmem>>, vector<10000x128xf32>
    %get3A_2 = arith.constant 0 : index
    %get3A_3 = arith.constant 0 : index
    %get3A_4 = vector.load %arg2[%get3A_2, %get3A_3] : memref<10000x128xf32, #tpu.memory_space<vmem>>, vector<10000x128xf32>
    %add3A = arith.addf %get3A_1, %get3A_4 : vector<10000x128xf32>
    %get3A_5 = arith.constant 0 : index
    %get3A_6 = arith.constant 0 : index
    %get3A_7 = vector.load %arg0[%get3A_5, %get3A_6] : memref<10000x128xf32, #tpu.memory_space<vmem>>, vector<10000x128xf32>
    %sub3A = arith.subf %add3A, %get3A_7 : vector<10000x128xf32>
    %get3A_8 = arith.constant 0 : index
    %get3A_9 = arith.constant 0 : index
    %get3A_10 = vector.load %arg3[%get3A_8, %get3A_9] : memref<128x128xf32, #tpu.memory_space<vmem>>, vector<128x128xf32>
    %dot_general3A = arith.constant dense<0.000000e+00> : vector<10000x128xf32>
    %dot_general3A_11 = tpu.matmul %sub3A, %get3A_10, %dot_general3A {dimension_numbers = #tpu.dot_dimension_numbers<[1], [1], [0], [0], [0, 0, 1, 0], [], []>, transpose_lhs_hint = false} : vector<10000x128xf32>, vector<128x128xf32>, vector<10000x128xf32> -> vector<10000x128xf32>
    %get3A_12 = arith.constant 0 : index
    %get3A_13 = arith.constant 0 : index
    %get3A_14 = vector.load %arg4[%get3A_12, %get3A_13] : memref<1x128xf32, #tpu.memory_space<vmem>>, vector<1x128xf32>
    %add3A_15 = vector.broadcast %get3A_14 : vector<1x128xf32> to vector<10000x128xf32>
    %add3A_16 = arith.addf %dot_general3A_11, %add3A_15 : vector<10000x128xf32>
    %reduce_sum3A = arith.constant dense<0.000000e+00> : vector<128xf32>
    %reduce_sum3A_17 = vector.multi_reduction <add>, %add3A_16, %reduce_sum3A [0] : vector<10000x128xf32> to vector<128xf32>
    %broadcast_in_dim3A = vector.shape_cast %reduce_sum3A_17 : vector<128xf32> to vector<1x128xf32>
    %div3A = arith.constant 1.000000e+04 : f32
    %div3A_18 = vector.broadcast %div3A : f32 to vector<1x128xf32>
    %div3A_19 = arith.divf %broadcast_in_dim3A, %div3A_18 : vector<1x128xf32>
    %sub3A_20 = vector.broadcast %div3A_19 : vector<1x128xf32> to vector<10000x128xf32>
    %sub3A_21 = arith.subf %add3A_16, %sub3A_20 : vector<10000x128xf32>
    %mul3A = arith.mulf %sub3A_21, %sub3A_21 : vector<10000x128xf32>
    %reduce_sum3A_22 = arith.constant dense<0.000000e+00> : vector<128xf32>
    %reduce_sum3A_23 = vector.multi_reduction <add>, %mul3A, %reduce_sum3A_22 [0] : vector<10000x128xf32> to vector<128xf32>
    %broadcast_in_dim3A_24 = vector.shape_cast %reduce_sum3A_23 : vector<128xf32> to vector<1x128xf32>
    %div3A_25 = arith.constant 1.000000e+04 : f32
    %div3A_26 = vector.broadcast %div3A_25 : f32 to vector<1x128xf32>
    %div3A_27 = arith.divf %broadcast_in_dim3A_24, %div3A_26 : vector<1x128xf32>
    %add3A_28 = arith.constant 9.99999974E-6 : f32
    %add3A_29 = vector.broadcast %add3A_28 : f32 to vector<1x128xf32>
    %add3A_30 = arith.addf %div3A_27, %add3A_29 : vector<1x128xf32>
    %rsqrt3A = math.rsqrt %add3A_30 : vector<1x128xf32>
    %mul3A_31 = vector.broadcast %rsqrt3A : vector<1x128xf32> to vector<10000x128xf32>
    %mul3A_32 = arith.mulf %sub3A_21, %mul3A_31 : vector<10000x128xf32>
    %get3A_33 = arith.constant 0 : index
    %get3A_34 = arith.constant 0 : index
    %get3A_35 = vector.load %arg5[%get3A_33, %get3A_34] : memref<1x128xf32, #tpu.memory_space<vmem>>, vector<1x128xf32>
    %mul3A_36 = vector.broadcast %get3A_35 : vector<1x128xf32> to vector<10000x128xf32>
    %mul3A_37 = arith.mulf %mul3A_32, %mul3A_36 : vector<10000x128xf32>
    %get3A_38 = arith.constant 0 : index
    %get3A_39 = arith.constant 0 : index
    %get3A_40 = vector.load %arg6[%get3A_38, %get3A_39] : memref<1x128xf32, #tpu.memory_space<vmem>>, vector<1x128xf32>
    %add3A_41 = vector.broadcast %get3A_40 : vector<1x128xf32> to vector<10000x128xf32>
    %add3A_42 = arith.addf %mul3A_37, %add3A_41 : vector<10000x128xf32>
    %max3A = arith.constant 0.000000e+00 : f32
    %max3A_43 = vector.broadcast %max3A : f32 to vector<10000x128xf32>
    %max3A_44 = arith.maximumf %add3A_42, %max3A_43 : vector<10000x128xf32>
    %get3A_45 = arith.constant 0 : index
    %get3A_46 = arith.constant 0 : index
    %get3A_47 = vector.load %arg7[%get3A_45, %get3A_46] : memref<128x128xf32, #tpu.memory_space<vmem>>, vector<128x128xf32>
    %dot_general3A_48 = arith.constant dense<0.000000e+00> : vector<10000x128xf32>
    %dot_general3A_49 = tpu.matmul %max3A_44, %get3A_47, %dot_general3A_48 {dimension_numbers = #tpu.dot_dimension_numbers<[1], [1], [0], [0], [0, 0, 1, 0], [], []>, transpose_lhs_hint = false} : vector<10000x128xf32>, vector<128x128xf32>, vector<10000x128xf32> -> vector<10000x128xf32>
    %get3A_50 = arith.constant 0 : index
    %get3A_51 = arith.constant 0 : index
    %get3A_52 = vector.load %arg8[%get3A_50, %get3A_51] : memref<1x128xf32, #tpu.memory_space<vmem>>, vector<1x128xf32>
    %add3A_53 = vector.broadcast %get3A_52 : vector<1x128xf32> to vector<10000x128xf32>
    %add3A_54 = arith.addf %dot_general3A_49, %add3A_53 : vector<10000x128xf32>
    %max3A_55 = arith.constant 0.000000e+00 : f32
    %max3A_56 = vector.broadcast %max3A_55 : f32 to vector<10000x128xf32>
    %max3A_57 = arith.maximumf %add3A_54, %max3A_56 : vector<10000x128xf32>
    %swap3A = arith.constant 0 : index
    %swap3A_58 = arith.constant 0 : index
    %swap3A_59 = vector.load %arg9[%swap3A, %swap3A_58] : memref<10000x128xf32, #tpu.memory_space<vmem>>, vector<10000x128xf32>
    tpu.vector_store %arg9[%swap3A, %swap3A_58], %max3A_57 {strides = array<i32>} : memref<10000x128xf32, #tpu.memory_space<vmem>>, vector<10000x128xf32>,
    return
  }
}

module attributes {stable_mosaic.version = 14 : i64} {
  func.func @_head_layer_body(%arg0: memref<10000x128xf32, #tpu.memory_space<vmem>>, %arg1: memref<10000x128xf32, #tpu.memory_space<vmem>>, %arg2: memref<10000x128xf32, #tpu.memory_space<vmem>>, %arg3: memref<128x128xf32, #tpu.memory_space<vmem>>, %arg4: memref<1x128xf32, #tpu.memory_space<vmem>>, %arg5: memref<1x128xf32, #tpu.memory_space<vmem>>, %arg6: memref<1x128xf32, #tpu.memory_space<vmem>>, %arg7: memref<128x128xf32, #tpu.memory_space<vmem>>, %arg8: memref<1x128xf32, #tpu.memory_space<vmem>>, %arg9: memref<128x128xf32, #tpu.memory_space<vmem>>, %arg10: memref<1x128xf32, #tpu.memory_space<vmem>>, %arg11: memref<1x128xf32, #tpu.memory_space<vmem>>, %arg12: memref<1x1xf32, #tpu.memory_space<vmem>>, %arg13: memref<10000x1xf32, #tpu.memory_space<vmem>>) attributes {dimension_semantics = [], scalar_prefetch = 0 : i64, scratch_operands = 0 : i64, tpu.core_type = #tpu.core_type<tc>} {
    %get3A = arith.constant 0 : index
    %get3A_0 = arith.constant 0 : index
    %get3A_1 = vector.load %arg1[%get3A, %get3A_0] : memref<10000x128xf32, #tpu.memory_space<vmem>>, vector<10000x128xf32>
    %get3A_2 = arith.constant 0 : index
    %get3A_3 = arith.constant 0 : index
    %get3A_4 = vector.load %arg2[%get3A_2, %get3A_3] : memref<10000x128xf32, #tpu.memory_space<vmem>>, vector<10000x128xf32>
    %add3A = arith.addf %get3A_1, %get3A_4 : vector<10000x128xf32>
    %get3A_5 = arith.constant 0 : index
    %get3A_6 = arith.constant 0 : index
    %get3A_7 = vector.load %arg0[%get3A_5, %get3A_6] : memref<10000x128xf32, #tpu.memory_space<vmem>>, vector<10000x128xf32>
    %sub3A = arith.subf %add3A, %get3A_7 : vector<10000x128xf32>
    %get3A_8 = arith.constant 0 : index
    %get3A_9 = arith.constant 0 : index
    %get3A_10 = vector.load %arg3[%get3A_8, %get3A_9] : memref<128x128xf32, #tpu.memory_space<vmem>>, vector<128x128xf32>
    %dot_general3A = arith.constant dense<0.000000e+00> : vector<10000x128xf32>
    %dot_general3A_11 = tpu.matmul %sub3A, %get3A_10, %dot_general3A {dimension_numbers = #tpu.dot_dimension_numbers<[1], [1], [0], [0], [0, 0, 1, 0], [], []>, transpose_lhs_hint = false} : vector<10000x128xf32>, vector<128x128xf32>, vector<10000x128xf32> -> vector<10000x128xf32>
    %get3A_12 = arith.constant 0 : index
    %get3A_13 = arith.constant 0 : index
    %get3A_14 = vector.load %arg4[%get3A_12, %get3A_13] : memref<1x128xf32, #tpu.memory_space<vmem>>, vector<1x128xf32>
    %add3A_15 = vector.broadcast %get3A_14 : vector<1x128xf32> to vector<10000x128xf32>
    %add3A_16 = arith.addf %dot_general3A_11, %add3A_15 : vector<10000x128xf32>
    %reduce_sum3A = arith.constant dense<0.000000e+00> : vector<128xf32>
    %reduce_sum3A_17 = vector.multi_reduction <add>, %add3A_16, %reduce_sum3A [0] : vector<10000x128xf32> to vector<128xf32>
    %broadcast_in_dim3A = vector.shape_cast %reduce_sum3A_17 : vector<128xf32> to vector<1x128xf32>
    %div3A = arith.constant 1.000000e+04 : f32
    %div3A_18 = vector.broadcast %div3A : f32 to vector<1x128xf32>
    %div3A_19 = arith.divf %broadcast_in_dim3A, %div3A_18 : vector<1x128xf32>
    %sub3A_20 = vector.broadcast %div3A_19 : vector<1x128xf32> to vector<10000x128xf32>
    %sub3A_21 = arith.subf %add3A_16, %sub3A_20 : vector<10000x128xf32>
    %mul3A = arith.mulf %sub3A_21, %sub3A_21 : vector<10000x128xf32>
    %reduce_sum3A_22 = arith.constant dense<0.000000e+00> : vector<128xf32>
    %reduce_sum3A_23 = vector.multi_reduction <add>, %mul3A, %reduce_sum3A_22 [0] : vector<10000x128xf32> to vector<128xf32>
    %broadcast_in_dim3A_24 = vector.shape_cast %reduce_sum3A_23 : vector<128xf32> to vector<1x128xf32>
    %div3A_25 = arith.constant 1.000000e+04 : f32
    %div3A_26 = vector.broadcast %div3A_25 : f32 to vector<1x128xf32>
    %div3A_27 = arith.divf %broadcast_in_dim3A_24, %div3A_26 : vector<1x128xf32>
    %add3A_28 = arith.constant 9.99999974E-6 : f32
    %add3A_29 = vector.broadcast %add3A_28 : f32 to vector<1x128xf32>
    %add3A_30 = arith.addf %div3A_27, %add3A_29 : vector<1x128xf32>
    %rsqrt3A = math.rsqrt %add3A_30 : vector<1x128xf32>
    %mul3A_31 = vector.broadcast %rsqrt3A : vector<1x128xf32> to vector<10000x128xf32>
    %mul3A_32 = arith.mulf %sub3A_21, %mul3A_31 : vector<10000x128xf32>
    %get3A_33 = arith.constant 0 : index
    %get3A_34 = arith.constant 0 : index
    %get3A_35 = vector.load %arg5[%get3A_33, %get3A_34] : memref<1x128xf32, #tpu.memory_space<vmem>>, vector<1x128xf32>
    %mul3A_36 = vector.broadcast %get3A_35 : vector<1x128xf32> to vector<10000x128xf32>
    %mul3A_37 = arith.mulf %mul3A_32, %mul3A_36 : vector<10000x128xf32>
    %get3A_38 = arith.constant 0 : index
    %get3A_39 = arith.constant 0 : index
    %get3A_40 = vector.load %arg6[%get3A_38, %get3A_39] : memref<1x128xf32, #tpu.memory_space<vmem>>, vector<1x128xf32>
    %add3A_41 = vector.broadcast %get3A_40 : vector<1x128xf32> to vector<10000x128xf32>
    %add3A_42 = arith.addf %mul3A_37, %add3A_41 : vector<10000x128xf32>
    %max3A = arith.constant 0.000000e+00 : f32
    %max3A_43 = vector.broadcast %max3A : f32 to vector<10000x128xf32>
    %max3A_44 = arith.maximumf %add3A_42, %max3A_43 : vector<10000x128xf32>
    %get3A_45 = arith.constant 0 : index
    %get3A_46 = arith.constant 0 : index
    %get3A_47 = vector.load %arg7[%get3A_45, %get3A_46] : memref<128x128xf32, #tpu.memory_space<vmem>>, vector<128x128xf32>
    %dot_general3A_48 = arith.constant dense<0.000000e+00> : vector<10000x128xf32>
    %dot_general3A_49 = tpu.matmul %max3A_44, %get3A_47, %dot_general3A_48 {dimension_numbers = #tpu.dot_dimension_numbers<[1], [1], [0], [0], [0, 0, 1, 0], [], []>, transpose_lhs_hint = false} : vector<10000x128xf32>, vector<128x128xf32>, vector<10000x128xf32> -> vector<10000x128xf32>
    %get3A_50 = arith.constant 0 : index
    %get3A_51 = arith.constant 0 : index
    %get3A_52 = vector.load %arg8[%get3A_50, %get3A_51] : memref<1x128xf32, #tpu.memory_space<vmem>>, vector<1x128xf32>
    %add3A_53 = vector.broadcast %get3A_52 : vector<1x128xf32> to vector<10000x128xf32>
    %add3A_54 = arith.addf %dot_general3A_49, %add3A_53 : vector<10000x128xf32>
    %max3A_55 = arith.constant 0.000000e+00 : f32
    %max3A_56 = vector.broadcast %max3A_55 : f32 to vector<10000x128xf32>
    %max3A_57 = arith.maximumf %add3A_54, %max3A_56 : vector<10000x128xf32>
    %get3A_58 = arith.constant 0 : index
    %get3A_59 = arith.constant 0 : index
    %get3A_60 = vector.load %arg9[%get3A_58, %get3A_59] : memref<128x128xf32, #tpu.memory_space<vmem>>, vector<128x128xf32>
    %dot_general3A_61 = arith.constant dense<0.000000e+00> : vector<10000x128xf32>
    %dot_general3A_62 = tpu.matmul %max3A_57, %get3A_60, %dot_general3A_61 {dimension_numbers = #tpu.dot_dimension_numbers<[1], [1], [0], [0], [0, 0, 1, 0], [], []>, transpose_lhs_hint = false} : vector<10000x128xf32>, vector<128x128xf32>, vector<10000x128xf32> -> vector<10000x128xf32>
    %get3A_63 = arith.constant 0 : index
    %get3A_64 = arith.constant 0 : index
    %get3A_65 = vector.load %arg10[%get3A_63, %get3A_64] : memref<1x128xf32, #tpu.memory_space<vmem>>, vector<1x128xf32>
    %add3A_66 = vector.broadcast %get3A_65 : vector<1x128xf32> to vector<10000x128xf32>
    %add3A_67 = arith.addf %dot_general3A_62, %add3A_66 : vector<10000x128xf32>
    %max3A_68 = arith.constant 0.000000e+00 : f32
    %max3A_69 = vector.broadcast %max3A_68 : f32 to vector<10000x128xf32>
    %max3A_70 = arith.maximumf %add3A_67, %max3A_69 : vector<10000x128xf32>
    %get3A_71 = arith.constant 0 : index
    %get3A_72 = arith.constant 0 : index
    %get3A_73 = vector.load %arg11[%get3A_71, %get3A_72] : memref<1x128xf32, #tpu.memory_space<vmem>>, vector<1x128xf32>
    %mul3A_74 = vector.broadcast %get3A_73 : vector<1x128xf32> to vector<10000x128xf32>
    %mul3A_75 = arith.mulf %max3A_70, %mul3A_74 : vector<10000x128xf32>
    %reduce_sum3A_76 = arith.constant dense<0.000000e+00> : vector<10000xf32>
    %reduce_sum3A_77 = vector.multi_reduction <add>, %mul3A_75, %reduce_sum3A_76 [1] : vector<10000x128xf32> to vector<10000xf32>
    %broadcast_in_dim3A_78 = vector.shape_cast %reduce_sum3A_77 : vector<10000xf32> to vector<10000x1xf32>
    %get3A_79 = arith.constant 0 : index
    %get3A_80 = arith.constant 0 : index
    %get3A_81 = vector.load %arg12[%get3A_79, %get3A_80] : memref<1x1xf32, #tpu.memory_space<vmem>>, vector<1x1xf32>
    %add3A_82 = vector.broadcast %get3A_81 : vector<1x1xf32> to vector<10000x1xf32>
    %add3A_83 = arith.addf %broadcast_in_dim3A_78, %add3A_82 : vector<10000x1xf32>
    %neg3A = arith.constant 0.000000e+00 : f32
    %neg3A_84 = vector.broadcast %neg3A : f32 to vector<10000x1xf32>
    %neg3A_85 = arith.subf %neg3A_84, %add3A_83 : vector<10000x1xf32>
    %exp3A = math.exp %neg3A_85 : vector<10000x1xf32>
    %add3A_86 = arith.constant 1.000000e+00 : f32
    %add3A_87 = vector.broadcast %add3A_86 : f32 to vector<10000x1xf32>
    %add3A_88 = arith.addf %add3A_87, %exp3A : vector<10000x1xf32>
    %div3A_89 = arith.constant 1.000000e+00 : f32
    %div3A_90 = vector.broadcast %div3A_89 : f32 to vector<10000x1xf32>
    %div3A_91 = arith.divf %div3A_90, %add3A_88 : vector<10000x1xf32>
    %swap3A = arith.constant 0 : index
    %swap3A_92 = arith.constant 0 : index
    %swap3A_93 = vector.load %arg13[%swap3A, %swap3A_92] : memref<10000x1xf32, #tpu.memory_space<vmem>>, vector<10000x1xf32>
    tpu.vector_store %arg13[%swap3A, %swap3A_92], %div3A_91 {strides = array<i32>} : memref<10000x1xf32, #tpu.memory_space<vmem>>, vector<10000x1xf32>,
    return
  }
}

</mosaic_0001>

<sc_bundles>
// kernel: kernel.6.cloned.1.call-start
scs
__scs_entry_jumppad:
0x0: {  	(pc) =	sbr.rel $0x88, $3  }
0x1: {  	(tag) =	ssettag $0x0;
	lr =	simm.s32 $0x1  }
0x2: {  	[smem:$0x3F8F] =	sst lr;
	_ =	strace $0xD0000000  }
0x3: {  	_ = 	snop  }
0x4: {  	_ = 	snop  }
0x5: {  	_ = 	snop  }
0x6: {  	_ = 	snop  }
0x7: {  	_ = 	snop  }
__scs_overlays_trampoline_lowered:
0x8: {  	[smem:$0x3F9E] =	sst s0  }
0x9: {  	[smem:$0x3F9F] =	sst s1  }
0xa: {  	[smem:$0x3FA0] =	sst s2  }
0xb: {  	[smem:$0x3FA1] =	sst s3  }
0xc: {  	[smem:$0x3FA2] =	sst s4  }
0xd: {  	[smem:$0x3FA3] =	sst s5  }
0xe: {  	[smem:$0x3FA4] =	sst s6  }
0xf: {  	[smem:$0x3FA5] =	sst s7  }
0x10: {  	[smem:$0x3FA6] =	sst s8  }
0x11: {  	[smem:$0x3FA7] =	sst s9;
	s0 =	simm.s32 @!p0 $0x0  }
0x12: {  	s1 =	sld [smem:$0x3F8D];
	s0 =	simm.s32 @p0 $0x1  }
0x13: {  	[smem:$0x3FA8] =	sst s0;
	s0 =	simm.s32 @!p1 $0x0  }
0x14: {  	s2 =	sld [smem:$0x3F8C];
	s0 =	simm.s32 @p1 $0x1  }
0x15: {  	[smem:$0x3FA9] =	sst s0;
	s0 =	simm.s32 @!p2 $0x0  }
0x16: {  	s3 =	sld [smem:$0x3FDB];
	s0 =	simm.s32 @p2 $0x1  }
0x17: {  	s4 =	simm.s32 $0x1BF5;
	[smem:$0x3FAB] =	sst s0  }
0x18: {  	s0 =	sld [smem:$0x3F8E];
	_ =	swait.ge [sflag:s4], $0x0  }
0x19: {  	s7 =	sld [smem:$0x3F8F]  }
0x1a: {  	s8 =	sadd.s32 $0xFFFFE003, lr  }
0x1b: {  	s9 =	sadd.s32 $0xFFFFFEF7, lr;
	s5 =	simm.s32 $0xFFFFFFFF;
	p2 =	slt.u32 s8, $0xFFFFF086  }
0x1c: {  	p1 =	slt.u32 s9, $0xF7A;
	s5 =	simm.s32 @!p2 $0x0  }
0x1d: {  	s5 =	simm.s32 @p1 $0x1;
	p0 =	seq.s32 s7, s2  }
0x1e: {  	s7 =	smul.u32 @!p0 $0xF7A, s2;
	p2 =	seq.s32 @!p0 s5, $0x0  }
0x1f: {  	s9 =	smul.u32 $0xF7A, s1;
	s8 =	simm.s32 @!p0 $0x1BF5;
	p2 =	por !p2, p0  }
0x20: {  	[sflag:s8] =	ssyncset.s32 @!p0 $0xFFFFF086;
	s6 =	sadd.s32 @!p0 s3, s7;
	s7 =	simm.s32 @!p0 $0x108  }
0x21: {  	s3 =	sadd.s32 s3, s9;
	s6 =	sadd.s32 @!p0 $0x88, s6;
	s7 =	simm.s32 @p2 $0x1082  }
0x22: {  	[simem:s7], [sflag:s8] =	dma.local @!p0 [hbm:s6], $0xF7A  }
0x23: {  	s9 =	sor.u32 $0xD0000000, s2;
	s6 =	simm.s32 $0x108;
	_ =	swait.ge @!p0 [sflag:s8], $0x0  }
0x24: {  	s3 =	sadd.s32 $0x88, s3;
	s6 =	simm.s32 @!p1 $0x1082;
	[sflag:s4] =	ssyncset.s32 $0xFFFFF086  }
0x25: {  	[simem:s6], [sflag:s4] =	dma.local [hbm:s3], $0xF7A  }
0x26: {  	[smem:$0x3F8F] =	sst s1;
	(tag) =	ssettag s2;
	_ =	strace s9  }
0x27: {  	s1 =	sld [smem:$0x3F9F]  }
0x28: {  	s2 =	sld [smem:$0x3FA0]  }
0x29: {  	s4 =	sld [smem:$0x3FA2]  }
0x2a: {  	p0 =	seq.s32 s5, $0x0;
	s5 =	sld [smem:$0x3FA3]  }
0x2b: {  	s6 =	sld [smem:$0x3FA4]  }
0x2c: {  	s7 =	sld [smem:$0x3FA5]  }
0x2d: {  	s3 =	simm.s32 $0x108;
	s8 =	sld [smem:$0x3FA6]  }
0x2e: {  	s3 =	simm.s32 @!p0 $0x1082;
	s9 =	sld [smem:$0x3FA7]  }
0x2f: {  	lr =	sadd.s32 s0, s3;
	s0 =	sld [smem:$0x3F9E]  }
0x30: {  	s3 =	sld [smem:$0x3FA1]  }
0x31: {  	[smem:$0x3FAA] =	sst s10  }
0x32: {  	s10 =	sld [smem:$0x3FA8];
	_ =	sdelay $0x3  }
0x33: {  	p0 =	seq.s32 s10, $0x1;
	s10 =	sld [smem:$0x3FAA];
	_ =	sdelay $0x3  }
0x34: {  	[smem:$0x3FAA] =	sst s10  }
0x35: {  	s10 =	sld [smem:$0x3FA9];
	_ =	sdelay $0x3  }
0x36: {  	p1 =	seq.s32 s10, $0x1;
	s10 =	sld [smem:$0x3FAA];
	_ =	sdelay $0x3  }
0x37: {  	[smem:$0x3FAA] =	sst s10  }
0x38: {  	s10 =	sld [smem:$0x3FAB]  }
0x39: {  	_ = 	snop;
	(pc) =	sbr.ind lr, $3  }
0x3a: {  	_ = 	snop  }
0x3b: {  	_ = 	snop  }
0x3c: {  	p2 =	seq.s32 s10, $0x1;
	s10 =	sld [smem:$0x3FAA]  }
0x3d: {  	_ =	shalt  }
0x3e: {  	_ =	shalt  }
0x3f: {  	_ =	shalt  }
0x40: {  	_ =	shalt  }
0x41: {  	_ =	shalt  }
0x42: {  	_ =	shalt  }
0x43: {  	_ =	shalt  }
0x44: {  	_ =	shalt  }
0x45: {  	_ =	shalt  }
0x46: {  	_ =	shalt  }
0x47: {  	_ =	shalt  }
0x48: {  	_ =	shalt  }
0x49: {  	_ =	shalt  }
0x4a: {  	_ =	shalt  }
0x4b: {  	_ =	shalt  }
0x4c: {  	_ =	shalt  }
0x4d: {  	_ =	shalt  }
0x4e: {  	_ =	shalt  }
0x4f: {  	_ =	shalt  }
0x50: {  	_ =	shalt  }
0x51: {  	_ =	shalt  }
0x52: {  	_ =	shalt  }
0x53: {  	_ =	shalt  }
0x54: {  	_ =	shalt  }
0x55: {  	_ =	shalt  }
0x56: {  	_ =	shalt  }
0x57: {  	_ =	shalt  }
0x58: {  	_ =	shalt  }
0x59: {  	_ =	shalt  }
0x5a: {  	_ =	shalt  }
0x5b: {  	_ =	shalt  }
0x5c: {  	_ =	shalt  }
0x5d: {  	_ =	shalt  }
0x5e: {  	_ =	shalt  }
0x5f: {  	_ =	shalt  }
0x60: {  	_ =	shalt  }
0x61: {  	_ =	shalt  }
0x62: {  	_ =	shalt  }
0x63: {  	_ =	shalt  }
0x64: {  	_ =	shalt  }
0x65: {  	_ =	shalt  }
0x66: {  	_ =	shalt  }
0x67: {  	_ =	shalt  }
0x68: {  	_ =	shalt  }
0x69: {  	_ =	shalt  }
0x6a: {  	_ =	shalt  }
0x6b: {  	_ =	shalt  }
0x6c: {  	_ =	shalt  }
0x6d: {  	_ =	shalt  }
0x6e: {  	_ =	shalt  }
0x6f: {  	_ =	shalt  }
0x70: {  	_ =	shalt  }
0x71: {  	_ =	shalt  }
0x72: {  	_ =	shalt  }
0x73: {  	_ =	shalt  }
0x74: {  	_ =	shalt  }
0x75: {  	_ =	shalt  }
0x76: {  	_ =	shalt  }
0x77: {  	_ =	shalt  }
0x78: {  	_ =	shalt  }
0x79: {  	_ =	shalt  }
0x7a: {  	_ =	shalt  }
0x7b: {  	_ =	shalt  }
0x7c: {  	_ =	shalt  }
0x7d: {  	_ =	shalt  }
0x7e: {  	_ =	shalt  }
0x7f: {  	_ =	shalt  }
0x80: {  	_ =	shalt  }
0x81: {  	_ =	shalt  }
0x82: {  	_ =	shalt  }
0x83: {  	_ =	shalt  }
0x84: {  	_ =	shalt  }
0x85: {  	_ =	shalt  }
0x86: {  	_ =	shalt  }
0x87: {  	_ =	shalt  }
.Lfunc_end0:
.L_simem_size_0:
called_computation_lowered:
.L_overlay_start_0:
0x88: {  	s2 =	sld [smem:$0x3FD9]  }
0x89: {  	s3 =	sld [smem:$0x3FFE];
	_ =	sdelay $0x1  }
0x8a: {  	s1 =	srdreg.scid  }
0x8b: {  	s0 =	sand.u32 $0x1, s1  }
0x8c: {  	s16 =	sshll.u32 s0, $0xA;
	s2 =	sadd.s32 s3, s2  }
0x8d: {  	s2 =	sadd.s32 s2, s16  }
0x8e: {  	[smem:$0x3FB6] =	sst s2  }
0x8f: {  	_ = 	snop  }
0x90: {  	(tm) =	ssettm $0x1  }
0x91: {  	s17 =	sld [smem:$0x3FFB];
	_ =	sdelay $0x3  }
0x92: {  	_ =	strace s17  }
0x93: {  	s2 =	sld [smem:$0x3FFC];
	_ =	sdelay $0x3  }
0x94: {  	_ =	strace s2  }
0x95: {  	s2 =	sld [smem:$0x3FFD];
	_ =	sdelay $0x3  }
0x96: {  	_ =	strace s2  }
0x97: {  	_ =	strace $0x8FFFFFFF  }
0x98: {  	s18 =	sld [smem:$0x3FDB];
	_ =	sdelay $0x1  }
0x99: {  	s19 =	simm.s32 $_scs_section_size  }
0x9a: {  	s4 =	simm.s32 $_size__tile_overlayer_lowered;
	s5 =	simm.s32 $_tile_overlayer_lowered  }
0x9b: {  	s22 =	simm.s32 $0x1BFF;
	s21 =	sshll.u32 s5, $0x1;
	s2 =	sadd.s32 s19, s18  }
0x9c: {  	s6 =	simm.s32 $0x0;
	s20 =	sshll.u32 s4, $0x1;
	s4 =	sadd.s32 s21, s2  }
0x9d: {  	[timem:s6], [sflag:s22] =	dma.local [hbm:s4], s20  }
0x9e: {  	_ =	swait.ge [sflag:s22], s20  }
0x9f: {  	s3 =	ssub.s32 $0x0, s20;
	[sflag:s22] =	ssyncset.done $0x0  }
0xa0: {  	[sflag:s22] =	ssyncadd.s32 s3;
	_ =	sdelay $0x1  }
0xa1: {  	s23 =	simm.s32 $0x1B8B  }
0xa2: {  	_ =	swait.ge [sflag:s23], $0x1  }
0xa3: {  	[sflag:s23] =	ssyncset.done $0x0  }
0xa4: {  	s25 =	simm.s32 $0x1B8E;
	s24 =	sld [smem:$0x3FFE];
	[sflag:s23] =	ssyncadd.s32 $0xFFFFFFFF  }
0xa5: {  	s26 =	simm.s32 $execute0_lowered;
	[smem:$0x3FD2] =	sst s25  }
0xa6: {  	s4 =	sshll.u32 s26, $0x1;
	_ =	strace $0x80000046;
	[dreg:$0x1] =	wrdreg $0xFFFFFFFF  }
0xa7: {  	s28 =	simm.s32 $_size_execute0_lowered;
	s2 =	sadd.s32 s2, s4;
	[dreg:$0x0] =	wrdreg $0x0  }
0xa8: {  	s4 =	sshll.u32 s28, $0x1;
	[dreg:$0x2] =	wrdreg s2  }
0xa9: {  	[dreg:$0x3] =	wrdreg s4  }
0xaa: {  	[dreg:$0x4] =	wrdreg $0xC0  }
0xab: {  	_ =	task [dreg:s6], $0x5FFFF  }
0xac: {  	[dreg:$0x1] =	wrdreg $0xFFFFFFFF  }
0xad: {  	[dreg:$0x0] =	wrdreg $0x60  }
0xae: {  	[dreg:$0x2] =	wrdreg s24  }
0xaf: {  	[dreg:$0x3] =	wrdreg $0xB0000  }
0xb0: {  	[dreg:$0x4] =	wrdreg $0x9  }
0xb1: {  	_ =	task.clear_ibuf [dreg:s6], $0x5FFFF;
	_ =	strace $0x90000046  }
0xb2: {  	s29 =	simm.s32 $0x9;
	_ =	strace $0x80000048  }
0xb3: {  	_ =	swait.ge [sflag:s29], $0x1  }
0xb4: {  	[sflag:s29] =	ssyncadd.s32 $0xFFFFFFFF  }
0xb5: {  	_ =	strace $0x90000048  }
0xb6: {  	_ =	sfence  }
0xb7: {  	s30 =	sld [smem:$0x0];
	_ =	sdelay $0x2  }
0xb8: {  	s31 =	sshll.u32 s1, $0xD;
	s1 =	sshrl.u32 s1, $0x2  }
0xb9: {  	s3 =	sand.u32 $0x4000, s31;
	s1 =	sadd.s32 s1, s30  }
0xba: {  	s0 =	sor.u32 s3, s0;
	s1 =	sshll.u32 s1, $0x11  }
0xbb: {  	s0 =	sor.u32 s1, s0  }
0xbc: {  	s0 =	sadd.s32 $0x8F2B, s0  }
0xbd: {  	[sflag:s0] =	ssyncadd.remote.s32 $0x1  }
0xbe: {  	_ =	sfence.sel $0xFFFF  }
0xbf: {  	[dreg:$0x0] =	wrdreg $0xFFFFFFFF;
	(pc) =	sbr.abs _section_cstart, $3  }
0xc0: {  	[dreg:$0x1] =	wrdreg $0xFFFFFFFF  }
0xc1: {  	_ =	task.clear_ibuf [dreg:s6], $0x2FFFF;
	_ =	strace $0x9FFFFFFF  }
0xc2: {  	(tm) =	ssettm $0x7FFFFFFF  }
0xc3: {  	_ =	shalt  }
tec
execute0_lowered:
.L_overlay_start_1:
0x0: {  	(tag) =	ssettag $0x1  }
0x1: {  	s5 =	rddreg [dreg:$0x0]  }
0x2: {  	s2 =	rddreg [dreg:$0x1]  }
0x3: {  	s0 =	rddreg [dreg:$0x2]  }
0x4: {  	s4 =	srdreg.scid;
	s1 =	stileid.u32;
	s3 =	simm.s32 $0x0  }
0x5: {  	s14 =	simm.s32 $0x80;
	s15 =	simm.s32 $0x7000;
	s16 =	simm.s32 $0x1  }
0x6: {  	s17 =	simm.s32 $0x0;
	s8 =	sand.u32 $0x1, s4;
	s6 =	smul.u32 $0x13C00, s1  }
0x7: {  	[smem:$0x7FF] =	sst s3;
	s7 =	sshll.u32 s1, $0x1;
	s12 =	smul.u32 $0x4F000, s1  }
0x8: {  	s4 =	sadd.s32 $0x1E200, s5;
	s31 =	sshll.u32 s1, $0x6;
	s9 =	smul.u32 $0x13C000, s8  }
0x9: {  	_ =	strace $0x80000047;
	s7 =	sor.u32 s8, s7;
	s10 =	ssub.s32 $0x2, s8  }
0xa: {  	p0 =	seq.s32 s8, $0x1;
	s7 =	smul.u32 $0x700, s7;
	s11 =	sshrl.u32 s10, $0x1  }
0xb: {  	s29 =	sshrl.u32 s12, $0x2;
	s30 =	sshrl.u32 s6, $0x3;
	s12 =	sor.u32 $0x1C02, s31  }
.Ltmp0:
0xc: {  	s9 =	sadd.s32 s6, s9;
	s10 =	ssub.s32 s10, s11;
	(pc) =	sbr.rel .LBB2_1-.Ltmp0, $4  }
0xd: {  	s13 =	sadd.s32 s29, s2;
	s11 =	simm.s32 $0x3800;
	s9 =	sshrl.u32 s9, $0x3  }
0xe: {  	s7 =	sadd.s32 s7, s5;
	s13 =	sshrl.u32 s13, $0x3;
	s9 =	sadd.s32 s9, s5  }
0xf: {  	s5 =	sadd.s32 $0x2200, s7;
	s6 =	sadd.s32 $0x10200, s7;
	s7 =	sadd.s32 s4, s30  }
0x10: {  	s8 =	sadd.s32 $0x45A00, s9;
	s9 =	smax.u32 s10, $0x1;
	s10 =	simm.s32 $0x2  }
.LBB2_7:
0x11: {  	s18 =	sshra.s32 s18, $0x2;
	[sflag:s10] =	ssyncadd.s32 $0xFFFFC000  }
0x12: {  	[tilespmem:s15], [sflag:$0x1] =	stream.indirect.gather [hbm4b:s4+s14], $0x80, s18, s14, $0xb8;
	[tilespmem:$0x1EC00] =	vst v63  }
0x13: {  	_ =	swait.ge [sflag:s16], $0x4000  }
0x14: {  	[sflag:s16] =	ssyncset.done $0x0  }
0x15: {  	s18 =	sadd.s32 $0x3800, s18;
	[sflag:s16] =	ssyncadd.s32 $0xFFFFC000  }
0x16: {  	[spmem:s2] =	stream.indirect.scatter.add.f32 [tilespmem:s15], [sflag:$0x2], $0x80, s18, s14, $0xb8;
	[tilespmem:$0x1EC00] =	vst v63  }
0x17: {  	_ =	swait.ge [sflag:s10], $0x4000  }
0x18: {  	[sflag:s10] =	ssyncset.done $0x0  }
0x19: {  	[sflag:s10] =	ssyncadd.s32 $0xFFFFC000  }
.LBB2_8:
0x1a: {  	s17 =	sadd.s32 $0x1, s17  }
0x1b: {  	p1 =	sne.s32 s17, s9  }
.Ltmp1:
0x1c: {  	[bflag:$0x0] =	sbarrier.arrive $0xFFFF;
	(pc) =	sbr.rel @!p1 .LBB2_9-.Ltmp1, $4  }
0x1d: {  	[hbm:s8], [sflag:s12] =	dma.local [spmem:s13], $0x2780  }
0x1e: {  	_ =	swait.ge [sflag:s10], $0x2780  }
0x1f: {  	[sflag:s10] =	ssyncset.done $0x0  }
0x20: {  	[sflag:s10] =	ssyncadd.s32 $0xFFFFD880  }
.LBB2_1:
0x21: {  	[tilespmem:s3], [sflag:$0x2] =	stream.linear.gather [hbm4b:s5+s3], $0x3480, $0x38;
	[tilespmem:$0x1EC00] =	vst v63  }
0x22: {  	_ =	swait.ge [sflag:s10], $0x3480  }
0x23: {  	[sflag:s10] =	ssyncset.done $0x0  }
0x24: {  	[sflag:s10] =	ssyncadd.s32 $0xFFFFCB80  }
0x25: {  	[tilespmem:s11], [sflag:$0x2] =	stream.linear.gather [hbm4b:s6+s3], $0x3480, $0x38;
	[tilespmem:$0x1EC00] =	vst v63  }
0x26: {  	_ =	swait.ge [sflag:s10], $0x3480  }
0x27: {  	[sflag:s10] =	ssyncset.done $0x0  }
0x28: {  	[sflag:s10] =	ssyncadd.s32 $0xFFFFCB80  }
0x29: {  	[spmem:s13], [sflag:s12] =	dma.local [hbm:s7], $0x2780  }
.Ltmp2:
0x2a: {  	_ =	swait.ge [sflag:s10], $0x2780;
	(pc) =	sbr.rel @!p0 .LBB2_2-.Ltmp2, $4  }
0x2b: {  	[sflag:s10] =	ssyncset.done $0x0  }
0x2c: {  	[sflag:s10] =	ssyncadd.s32 $0xFFFFD880  }
0x2d: {  	[bflag:$0x0] =	sbarrier.arrive $0xFFFF  }
0x2e: {  	s18 =	simm.s32 $0x0  }
0x2f: {  	[tilespmem:s15], [sflag:$0x1] =	stream.indirect.gather [hbm4b:s4+s14], $0x80, s18, s14, $0xb8;
	[tilespmem:$0x1EC00] =	vst v63  }
0x30: {  	_ =	swait.ge [sflag:s16], $0x4000  }
0x31: {  	[sflag:s16] =	ssyncset.done $0x0  }
0x32: {  	s31 =	simm.s32 $0x3800;
	[sflag:s16] =	ssyncadd.s32 $0xFFFFC000  }
0x33: {  	[spmem:s2] =	stream.indirect.scatter.add.f32 [tilespmem:s15], [sflag:$0x2], $0x80, s31, s14, $0xb8;
	[tilespmem:$0x1EC00] =	vst v63  }
0x34: {  	_ =	swait.ge [sflag:s10], $0x4000  }
0x35: {  	s18 =	simm.s32 $0x200;
	s19 =	simm.s32 $0x400;
	[sflag:s10] =	ssyncset.done $0x0  }
.LBB2_6:
0x36: {  	s20 =	sshra.s32 s18, $0x2  }
0x37: {  	[sflag:s10] =	ssyncadd.s32 $0xFFFFC000;
	s18 =	smov.u32 s19;
	s21 =	sadd.s32 $0x200, s19  }
0x38: {  	[tilespmem:s15], [sflag:$0x1] =	stream.indirect.gather [hbm4b:s4+s14], $0x80, s20, s14, $0xb8;
	[tilespmem:$0x1EC00] =	vst v63  }
0x39: {  	p1 =	sne.s32 s19, $0xD000;
	_ =	swait.ge [sflag:s16], $0x4000  }
.Ltmp3:
0x3a: {  	[sflag:s16] =	ssyncset.done $0x0;
	(pc) =	sbr.rel @p1 .LBB2_6-.Ltmp3, $4  }
0x3b: {  	s19 =	sadd.s32 $0x3800, s20;
	[sflag:s16] =	ssyncadd.s32 $0xFFFFC000  }
0x3c: {  	[spmem:s2] =	stream.indirect.scatter.add.f32 [tilespmem:s15], [sflag:$0x2], $0x80, s19, s14, $0xb8;
	[tilespmem:$0x1EC00] =	vst v63  }
0x3d: {  	_ =	swait.ge [sflag:s10], $0x4000  }
0x3e: {  	s19 =	smov.u32 s21;
	[sflag:s10] =	ssyncset.done $0x0  }
.Ltmp4:
0x3f: {  	_ = 	snop;
	(pc) =	sbr.rel .LBB2_7-.Ltmp4, $1  }
0x40: {  	_ =	sdelay $0x3  }
.LBB2_2:
0x41: {  	[tilespmem:s15], [sflag:$0x1] =	stream.indirect.gather [hbm4b:s4+s14], $0x80, s18, s14, $0xb8;
	[tilespmem:$0x1EC00] =	vst v63  }
0x42: {  	_ =	swait.ge [sflag:s16], $0x4000  }
0x43: {  	[sflag:s16] =	ssyncset.done $0x0  }
0x44: {  	s31 =	simm.s32 $0x3800;
	[sflag:s16] =	ssyncadd.s32 $0xFFFFC000  }
0x45: {  	[spmem:s2] =	stream.indirect.scatter.add.f32 [tilespmem:s15], [sflag:$0x2], $0x80, s31, s14, $0xb8;
	[tilespmem:$0x1EC00] =	vst v63  }
0x46: {  	_ =	swait.ge [sflag:s10], $0x4000  }
0x47: {  	s18 =	simm.s32 $0x200;
	s19 =	simm.s32 $0x400;
	[sflag:s10] =	ssyncset.done $0x0  }
.LBB2_3:
0x48: {  	s20 =	sshra.s32 s18, $0x2  }
0x49: {  	[sflag:s10] =	ssyncadd.s32 $0xFFFFC000;
	s18 =	smov.u32 s19;
	s21 =	sadd.s32 $0x200, s19  }
0x4a: {  	[tilespmem:s15], [sflag:$0x1] =	stream.indirect.gather [hbm4b:s4+s14], $0x80, s20, s14, $0xb8;
	[tilespmem:$0x1EC00] =	vst v63  }
0x4b: {  	p1 =	seq.s32 s19, $0x6600;
	_ =	swait.ge [sflag:s16], $0x4000  }
.Ltmp5:
0x4c: {  	[sflag:s16] =	ssyncset.done $0x0;
	(pc) =	sbr.rel @!p1 .LBB2_3-.Ltmp5, $4  }
0x4d: {  	s19 =	sadd.s32 $0x3800, s20;
	[sflag:s16] =	ssyncadd.s32 $0xFFFFC000  }
0x4e: {  	[spmem:s2] =	stream.indirect.scatter.add.f32 [tilespmem:s15], [sflag:$0x2], $0x80, s19, s14, $0xb8;
	[tilespmem:$0x1EC00] =	vst v63  }
0x4f: {  	_ =	swait.ge [sflag:s10], $0x4000  }
0x50: {  	s19 =	smov.u32 s21;
	[sflag:s10] =	ssyncset.done $0x0  }
0x51: {  	s18 =	sshra.s32 s18, $0x2;
	[sflag:s10] =	ssyncadd.s32 $0xFFFFC000  }
0x52: {  	[tilespmem:s15], [sflag:$0x1] =	stream.indirect.gather [hbm4b:s4+s14], $0x80, s18, s14, $0xb8;
	[tilespmem:$0x1EC00] =	vst v63  }
0x53: {  	_ =	swait.ge [sflag:s16], $0x4000  }
0x54: {  	[sflag:s16] =	ssyncset.done $0x0  }
.Ltmp6:
0x55: {  	s18 =	sadd.s32 $0x3800, s18;
	[sflag:s16] =	ssyncadd.s32 $0xFFFFC000;
	(pc) =	sbr.rel .LBB2_8-.Ltmp6, $4  }
0x56: {  	[spmem:s2] =	stream.indirect.scatter.add.f32 [tilespmem:s15], [sflag:$0x2], $0x80, s18, s14, $0xb8;
	[tilespmem:$0x1EC00] =	vst v63  }
0x57: {  	_ =	swait.ge [sflag:s10], $0x4000  }
0x58: {  	[sflag:s10] =	ssyncset.done $0x0  }
0x59: {  	[sflag:s10] =	ssyncadd.s32 $0xFFFFC000  }
.LBB2_9:
0x5a: {  	_ =	sfence.sel $0x180000  }
0x5b: {  	[bflag:$0x0] =	sbarrier.arrive $0xFFFF  }
0x5c: {  	p0 =	sne.s32 s1, $0x0;
	_ =	strace $0x90000047  }
0x5d: {  	s0 =	sadd.s32 @!p0 $0x100000, s0;
	[bflag:$0x2] =	sbarrier.arrive $0xFFFF  }
0x5e: {  	[sflag:s0] =	ssyncadd.tile.s32 @!p0 $0x1;
	_ =	shalt  }
.Lfunc_end2:
_tile_overlayer_lowered:
.L_overlay_start_2:
0x5f: {  	(tag) =	ssettag $0x2  }
0x60: {  	s0 =	rddreg [dreg:$0x0];
	s2 =	stileid.u32  }
0x61: {  	s1 =	rddreg [dreg:$0x1];
	p0 =	sne.s32 s2, $0x0  }
0x62: {  	s3 =	rddreg [dreg:$0x2];
	[bflag:$0x3] =	sbarrier.arrive $0xFFFF;
	s2 =	simm.s32 @!p0 $0x1C02  }
0x63: {  	[timem:s3], [sflag:s2] =	dma.local @!p0 [hbm:s0], s1  }
0x64: {  	s0 =	simm.s32 @!p0 $0x2  }
0x65: {  	_ =	swait.ge @!p0 [sflag:s0], s1  }
0x66: {  	s1 =	ssub.s32 @!p0 $0x0, s1;
	[sflag:s0] =	ssyncset.done @!p0 $0x0  }
0x67: {  	[sflag:s0] =	ssyncadd.s32 @!p0 s1  }
0x68: {  	[bflag:$0x3] =	sbarrier.arrive $0xFFFF  }
0x69: {  	_ =	shalt  }

// kernel: kernel.9.cloned.1.call-start
scs
__scs_entry_jumppad:
0x0: {  	(pc) =	sbr.rel $0x88, $3  }
0x1: {  	(tag) =	ssettag $0x0;
	lr =	simm.s32 $0x1  }
0x2: {  	[smem:$0x3F8F] =	sst lr;
	_ =	strace $0xD0000000  }
0x3: {  	_ = 	snop  }
0x4: {  	_ = 	snop  }
0x5: {  	_ = 	snop  }
0x6: {  	_ = 	snop  }
0x7: {  	_ = 	snop  }
__scs_overlays_trampoline_lowered:
0x8: {  	[smem:$0x3F9E] =	sst s0  }
0x9: {  	[smem:$0x3F9F] =	sst s1  }
0xa: {  	[smem:$0x3FA0] =	sst s2  }
0xb: {  	[smem:$0x3FA1] =	sst s3  }
0xc: {  	[smem:$0x3FA2] =	sst s4  }
0xd: {  	[smem:$0x3FA3] =	sst s5  }
0xe: {  	[smem:$0x3FA4] =	sst s6  }
0xf: {  	[smem:$0x3FA5] =	sst s7  }
0x10: {  	[smem:$0x3FA6] =	sst s8  }
0x11: {  	[smem:$0x3FA7] =	sst s9;
	s0 =	simm.s32 @!p0 $0x0  }
0x12: {  	s1 =	sld [smem:$0x3F8D];
	s0 =	simm.s32 @p0 $0x1  }
0x13: {  	[smem:$0x3FA8] =	sst s0;
	s0 =	simm.s32 @!p1 $0x0  }
0x14: {  	s2 =	sld [smem:$0x3F8C];
	s0 =	simm.s32 @p1 $0x1  }
0x15: {  	[smem:$0x3FA9] =	sst s0;
	s0 =	simm.s32 @!p2 $0x0  }
0x16: {  	s3 =	sld [smem:$0x3FDB];
	s0 =	simm.s32 @p2 $0x1  }
0x17: {  	s4 =	simm.s32 $0x1BF5;
	[smem:$0x3FAB] =	sst s0  }
0x18: {  	s0 =	sld [smem:$0x3F8E];
	_ =	swait.ge [sflag:s4], $0x0  }
0x19: {  	s7 =	sld [smem:$0x3F8F]  }
0x1a: {  	s8 =	sadd.s32 $0xFFFFE003, lr  }
0x1b: {  	s9 =	sadd.s32 $0xFFFFFEF7, lr;
	s5 =	simm.s32 $0xFFFFFFFF;
	p2 =	slt.u32 s8, $0xFFFFF086  }
0x1c: {  	p1 =	slt.u32 s9, $0xF7A;
	s5 =	simm.s32 @!p2 $0x0  }
0x1d: {  	s5 =	simm.s32 @p1 $0x1;
	p0 =	seq.s32 s7, s2  }
0x1e: {  	s7 =	smul.u32 @!p0 $0xF7A, s2;
	p2 =	seq.s32 @!p0 s5, $0x0  }
0x1f: {  	s9 =	smul.u32 $0xF7A, s1;
	s8 =	simm.s32 @!p0 $0x1BF5;
	p2 =	por !p2, p0  }
0x20: {  	[sflag:s8] =	ssyncset.s32 @!p0 $0xFFFFF086;
	s6 =	sadd.s32 @!p0 s3, s7;
	s7 =	simm.s32 @!p0 $0x108  }
0x21: {  	s3 =	sadd.s32 s3, s9;
	s6 =	sadd.s32 @!p0 $0x88, s6;
	s7 =	simm.s32 @p2 $0x1082  }
0x22: {  	[simem:s7], [sflag:s8] =	dma.local @!p0 [hbm:s6], $0xF7A  }
0x23: {  	s9 =	sor.u32 $0xD0000000, s2;
	s6 =	simm.s32 $0x108;
	_ =	swait.ge @!p0 [sflag:s8], $0x0  }
0x24: {  	s3 =	sadd.s32 $0x88, s3;
	s6 =	simm.s32 @!p1 $0x1082;
	[sflag:s4] =	ssyncset.s32 $0xFFFFF086  }
0x25: {  	[simem:s6], [sflag:s4] =	dma.local [hbm:s3], $0xF7A  }
0x26: {  	[smem:$0x3F8F] =	sst s1;
	(tag) =	ssettag s2;
	_ =	strace s9  }
0x27: {  	s1 =	sld [smem:$0x3F9F]  }
0x28: {  	s2 =	sld [smem:$0x3FA0]  }
0x29: {  	s4 =	sld [smem:$0x3FA2]  }
0x2a: {  	p0 =	seq.s32 s5, $0x0;
	s5 =	sld [smem:$0x3FA3]  }
0x2b: {  	s6 =	sld [smem:$0x3FA4]  }
0x2c: {  	s7 =	sld [smem:$0x3FA5]  }
0x2d: {  	s3 =	simm.s32 $0x108;
	s8 =	sld [smem:$0x3FA6]  }
0x2e: {  	s3 =	simm.s32 @!p0 $0x1082;
	s9 =	sld [smem:$0x3FA7]  }
0x2f: {  	lr =	sadd.s32 s0, s3;
	s0 =	sld [smem:$0x3F9E]  }
0x30: {  	s3 =	sld [smem:$0x3FA1]  }
0x31: {  	[smem:$0x3FAA] =	sst s10  }
0x32: {  	s10 =	sld [smem:$0x3FA8];
	_ =	sdelay $0x3  }
0x33: {  	p0 =	seq.s32 s10, $0x1;
	s10 =	sld [smem:$0x3FAA];
	_ =	sdelay $0x3  }
0x34: {  	[smem:$0x3FAA] =	sst s10  }
0x35: {  	s10 =	sld [smem:$0x3FA9];
	_ =	sdelay $0x3  }
0x36: {  	p1 =	seq.s32 s10, $0x1;
	s10 =	sld [smem:$0x3FAA];
	_ =	sdelay $0x3  }
0x37: {  	[smem:$0x3FAA] =	sst s10  }
0x38: {  	s10 =	sld [smem:$0x3FAB]  }
0x39: {  	_ = 	snop;
	(pc) =	sbr.ind lr, $3  }
0x3a: {  	_ = 	snop  }
0x3b: {  	_ = 	snop  }
0x3c: {  	p2 =	seq.s32 s10, $0x1;
	s10 =	sld [smem:$0x3FAA]  }
0x3d: {  	_ =	shalt  }
0x3e: {  	_ =	shalt  }
0x3f: {  	_ =	shalt  }
0x40: {  	_ =	shalt  }
0x41: {  	_ =	shalt  }
0x42: {  	_ =	shalt  }
0x43: {  	_ =	shalt  }
0x44: {  	_ =	shalt  }
0x45: {  	_ =	shalt  }
0x46: {  	_ =	shalt  }
0x47: {  	_ =	shalt  }
0x48: {  	_ =	shalt  }
0x49: {  	_ =	shalt  }
0x4a: {  	_ =	shalt  }
0x4b: {  	_ =	shalt  }
0x4c: {  	_ =	shalt  }
0x4d: {  	_ =	shalt  }
0x4e: {  	_ =	shalt  }
0x4f: {  	_ =	shalt  }
0x50: {  	_ =	shalt  }
0x51: {  	_ =	shalt  }
0x52: {  	_ =	shalt  }
0x53: {  	_ =	shalt  }
0x54: {  	_ =	shalt  }
0x55: {  	_ =	shalt  }
0x56: {  	_ =	shalt  }
0x57: {  	_ =	shalt  }
0x58: {  	_ =	shalt  }
0x59: {  	_ =	shalt  }
0x5a: {  	_ =	shalt  }
0x5b: {  	_ =	shalt  }
0x5c: {  	_ =	shalt  }
0x5d: {  	_ =	shalt  }
0x5e: {  	_ =	shalt  }
0x5f: {  	_ =	shalt  }
0x60: {  	_ =	shalt  }
0x61: {  	_ =	shalt  }
0x62: {  	_ =	shalt  }
0x63: {  	_ =	shalt  }
0x64: {  	_ =	shalt  }
0x65: {  	_ =	shalt  }
0x66: {  	_ =	shalt  }
0x67: {  	_ =	shalt  }
0x68: {  	_ =	shalt  }
0x69: {  	_ =	shalt  }
0x6a: {  	_ =	shalt  }
0x6b: {  	_ =	shalt  }
0x6c: {  	_ =	shalt  }
0x6d: {  	_ =	shalt  }
0x6e: {  	_ =	shalt  }
0x6f: {  	_ =	shalt  }
0x70: {  	_ =	shalt  }
0x71: {  	_ =	shalt  }
0x72: {  	_ =	shalt  }
0x73: {  	_ =	shalt  }
0x74: {  	_ =	shalt  }
0x75: {  	_ =	shalt  }
0x76: {  	_ =	shalt  }
0x77: {  	_ =	shalt  }
0x78: {  	_ =	shalt  }
0x79: {  	_ =	shalt  }
0x7a: {  	_ =	shalt  }
0x7b: {  	_ =	shalt  }
0x7c: {  	_ =	shalt  }
0x7d: {  	_ =	shalt  }
0x7e: {  	_ =	shalt  }
0x7f: {  	_ =	shalt  }
0x80: {  	_ =	shalt  }
0x81: {  	_ =	shalt  }
0x82: {  	_ =	shalt  }
0x83: {  	_ =	shalt  }
0x84: {  	_ =	shalt  }
0x85: {  	_ =	shalt  }
0x86: {  	_ =	shalt  }
0x87: {  	_ =	shalt  }
.Lfunc_end0:
.L_simem_size_0:
called_computation.1_lowered:
.L_overlay_start_0:
0x88: {  	s2 =	sld [smem:$0x3FD9]  }
0x89: {  	s3 =	sld [smem:$0x3FFE];
	_ =	sdelay $0x1  }
0x8a: {  	s1 =	srdreg.scid  }
0x8b: {  	s0 =	sand.u32 $0x1, s1  }
0x8c: {  	s16 =	sshll.u32 s0, $0xA;
	s2 =	sadd.s32 s3, s2  }
0x8d: {  	s2 =	sadd.s32 s2, s16  }
0x8e: {  	[smem:$0x3FB6] =	sst s2  }
0x8f: {  	_ = 	snop  }
0x90: {  	(tm) =	ssettm $0x1  }
0x91: {  	s17 =	sld [smem:$0x3FFB];
	_ =	sdelay $0x3  }
0x92: {  	_ =	strace s17  }
0x93: {  	s2 =	sld [smem:$0x3FFC];
	_ =	sdelay $0x3  }
0x94: {  	_ =	strace s2  }
0x95: {  	s2 =	sld [smem:$0x3FFD];
	_ =	sdelay $0x3  }
0x96: {  	_ =	strace s2  }
0x97: {  	_ =	strace $0x8FFFFFFF  }
0x98: {  	s18 =	sld [smem:$0x3FDB];
	_ =	sdelay $0x1  }
0x99: {  	s19 =	simm.s32 $_scs_section_size  }
0x9a: {  	s4 =	simm.s32 $_size__tile_overlayer_lowered;
	s5 =	simm.s32 $_tile_overlayer_lowered  }
0x9b: {  	s22 =	simm.s32 $0x1BFF;
	s21 =	sshll.u32 s5, $0x1;
	s2 =	sadd.s32 s19, s18  }
0x9c: {  	s6 =	simm.s32 $0x0;
	s20 =	sshll.u32 s4, $0x1;
	s4 =	sadd.s32 s21, s2  }
0x9d: {  	[timem:s6], [sflag:s22] =	dma.local [hbm:s4], s20  }
0x9e: {  	_ =	swait.ge [sflag:s22], s20  }
0x9f: {  	s3 =	ssub.s32 $0x0, s20;
	[sflag:s22] =	ssyncset.done $0x0  }
0xa0: {  	[sflag:s22] =	ssyncadd.s32 s3;
	_ =	sdelay $0x1  }
0xa1: {  	s23 =	simm.s32 $0x1B8B  }
0xa2: {  	_ =	swait.ge [sflag:s23], $0x1  }
0xa3: {  	[sflag:s23] =	ssyncset.done $0x0  }
0xa4: {  	s25 =	simm.s32 $0x1B8E;
	s24 =	sld [smem:$0x3FFE];
	[sflag:s23] =	ssyncadd.s32 $0xFFFFFFFF  }
0xa5: {  	s26 =	simm.s32 $execute0_lowered;
	[smem:$0x3FD2] =	sst s25  }
0xa6: {  	s4 =	sshll.u32 s26, $0x1;
	_ =	strace $0x80000049;
	[dreg:$0x1] =	wrdreg $0xFFFFFFFF  }
0xa7: {  	s28 =	simm.s32 $_size_execute0_lowered;
	s2 =	sadd.s32 s2, s4;
	[dreg:$0x0] =	wrdreg $0x0  }
0xa8: {  	s4 =	sshll.u32 s28, $0x1;
	[dreg:$0x2] =	wrdreg s2  }
0xa9: {  	[dreg:$0x3] =	wrdreg s4  }
0xaa: {  	[dreg:$0x4] =	wrdreg $0xC0  }
0xab: {  	_ =	task [dreg:s6], $0x5FFFF  }
0xac: {  	[dreg:$0x1] =	wrdreg $0xFFFFFFFF  }
0xad: {  	[dreg:$0x0] =	wrdreg $0x60  }
0xae: {  	[dreg:$0x2] =	wrdreg s24  }
0xaf: {  	[dreg:$0x3] =	wrdreg $0xB0000  }
0xb0: {  	[dreg:$0x4] =	wrdreg $0x9  }
0xb1: {  	_ =	task.clear_ibuf [dreg:s6], $0x5FFFF;
	_ =	strace $0x90000049  }
0xb2: {  	s29 =	simm.s32 $0x9;
	_ =	strace $0x8000004B  }
0xb3: {  	_ =	swait.ge [sflag:s29], $0x1  }
0xb4: {  	[sflag:s29] =	ssyncadd.s32 $0xFFFFFFFF  }
0xb5: {  	_ =	strace $0x9000004B  }
0xb6: {  	_ =	sfence  }
0xb7: {  	s30 =	sld [smem:$0x0];
	_ =	sdelay $0x2  }
0xb8: {  	s31 =	sshll.u32 s1, $0xD;
	s1 =	sshrl.u32 s1, $0x2  }
0xb9: {  	s3 =	sand.u32 $0x4000, s31;
	s1 =	sadd.s32 s1, s30  }
0xba: {  	s0 =	sor.u32 s3, s0;
	s1 =	sshll.u32 s1, $0x11  }
0xbb: {  	s0 =	sor.u32 s1, s0  }
0xbc: {  	s0 =	sadd.s32 $0x8F2B, s0  }
0xbd: {  	[sflag:s0] =	ssyncadd.remote.s32 $0x1  }
0xbe: {  	_ =	sfence.sel $0xFFFF  }
0xbf: {  	[dreg:$0x0] =	wrdreg $0xFFFFFFFF;
	(pc) =	sbr.abs _section_cstart, $3  }
0xc0: {  	[dreg:$0x1] =	wrdreg $0xFFFFFFFF  }
0xc1: {  	_ =	task.clear_ibuf [dreg:s6], $0x2FFFF;
	_ =	strace $0x9FFFFFFF  }
0xc2: {  	(tm) =	ssettm $0x7FFFFFFF  }
0xc3: {  	_ =	shalt  }
tec
execute0_lowered:
.L_overlay_start_1:
0x0: {  	(tag) =	ssettag $0x1  }
0x1: {  	s5 =	rddreg [dreg:$0x0]  }
0x2: {  	s2 =	rddreg [dreg:$0x1]  }
0x3: {  	s0 =	rddreg [dreg:$0x2]  }
0x4: {  	s4 =	srdreg.scid;
	s1 =	stileid.u32;
	s3 =	simm.s32 $0x0  }
0x5: {  	s14 =	simm.s32 $0x80;
	s15 =	simm.s32 $0x7000;
	s16 =	simm.s32 $0x1  }
0x6: {  	s17 =	simm.s32 $0x0;
	s8 =	sand.u32 $0x1, s4;
	s6 =	smul.u32 $0x13C00, s1  }
0x7: {  	[smem:$0x7FF] =	sst s3;
	s7 =	sshll.u32 s1, $0x1;
	s12 =	smul.u32 $0x4F000, s1  }
0x8: {  	s4 =	sadd.s32 $0x1E200, s5;
	s31 =	sshll.u32 s1, $0x6;
	s9 =	smul.u32 $0x13C000, s8  }
0x9: {  	_ =	strace $0x8000004A;
	s7 =	sor.u32 s8, s7;
	s10 =	ssub.s32 $0x2, s8  }
0xa: {  	p0 =	seq.s32 s8, $0x1;
	s7 =	smul.u32 $0x700, s7;
	s11 =	sshrl.u32 s10, $0x1  }
0xb: {  	s29 =	sshrl.u32 s12, $0x2;
	s30 =	sshrl.u32 s6, $0x3;
	s12 =	sor.u32 $0x1C02, s31  }
.Ltmp0:
0xc: {  	s9 =	sadd.s32 s6, s9;
	s10 =	ssub.s32 s10, s11;
	(pc) =	sbr.rel .LBB2_1-.Ltmp0, $4  }
0xd: {  	s13 =	sadd.s32 s29, s2;
	s11 =	simm.s32 $0x3800;
	s9 =	sshrl.u32 s9, $0x3  }
0xe: {  	s7 =	sadd.s32 s7, s5;
	s13 =	sshrl.u32 s13, $0x3;
	s9 =	sadd.s32 s9, s5  }
0xf: {  	s5 =	sadd.s32 $0x2200, s7;
	s6 =	sadd.s32 $0x10200, s7;
	s7 =	sadd.s32 s4, s30  }
0x10: {  	s8 =	sadd.s32 $0x45A00, s9;
	s9 =	smax.u32 s10, $0x1;
	s10 =	simm.s32 $0x2  }
.LBB2_7:
0x11: {  	s18 =	sshra.s32 s18, $0x2;
	[sflag:s10] =	ssyncadd.s32 $0xFFFFC000  }
0x12: {  	[tilespmem:s15], [sflag:$0x1] =	stream.indirect.gather [hbm4b:s4+s14], $0x80, s18, s14, $0xb8;
	[tilespmem:$0x1EC00] =	vst v63  }
0x13: {  	_ =	swait.ge [sflag:s16], $0x4000  }
0x14: {  	[sflag:s16] =	ssyncset.done $0x0  }
0x15: {  	s18 =	sadd.s32 $0x3800, s18;
	[sflag:s16] =	ssyncadd.s32 $0xFFFFC000  }
0x16: {  	[spmem:s2] =	stream.indirect.scatter.add.f32 [tilespmem:s15], [sflag:$0x2], $0x80, s18, s14, $0xb8;
	[tilespmem:$0x1EC00] =	vst v63  }
0x17: {  	_ =	swait.ge [sflag:s10], $0x4000  }
0x18: {  	[sflag:s10] =	ssyncset.done $0x0  }
0x19: {  	[sflag:s10] =	ssyncadd.s32 $0xFFFFC000  }
.LBB2_8:
0x1a: {  	s17 =	sadd.s32 $0x1, s17  }
0x1b: {  	p1 =	sne.s32 s17, s9  }
.Ltmp1:
0x1c: {  	[bflag:$0x0] =	sbarrier.arrive $0xFFFF;
	(pc) =	sbr.rel @!p1 .LBB2_9-.Ltmp1, $4  }
0x1d: {  	[hbm:s8], [sflag:s12] =	dma.local [spmem:s13], $0x2780  }
0x1e: {  	_ =	swait.ge [sflag:s10], $0x2780  }
0x1f: {  	[sflag:s10] =	ssyncset.done $0x0  }
0x20: {  	[sflag:s10] =	ssyncadd.s32 $0xFFFFD880  }
.LBB2_1:
0x21: {  	[tilespmem:s3], [sflag:$0x2] =	stream.linear.gather [hbm4b:s5+s3], $0x3480, $0x38;
	[tilespmem:$0x1EC00] =	vst v63  }
0x22: {  	_ =	swait.ge [sflag:s10], $0x3480  }
0x23: {  	[sflag:s10] =	ssyncset.done $0x0  }
0x24: {  	[sflag:s10] =	ssyncadd.s32 $0xFFFFCB80  }
0x25: {  	[tilespmem:s11], [sflag:$0x2] =	stream.linear.gather [hbm4b:s6+s3], $0x3480, $0x38;
	[tilespmem:$0x1EC00] =	vst v63  }
0x26: {  	_ =	swait.ge [sflag:s10], $0x3480  }
0x27: {  	[sflag:s10] =	ssyncset.done $0x0  }
0x28: {  	[sflag:s10] =	ssyncadd.s32 $0xFFFFCB80  }
0x29: {  	[spmem:s13], [sflag:s12] =	dma.local [hbm:s7], $0x2780  }
.Ltmp2:
0x2a: {  	_ =	swait.ge [sflag:s10], $0x2780;
	(pc) =	sbr.rel @!p0 .LBB2_2-.Ltmp2, $4  }
0x2b: {  	[sflag:s10] =	ssyncset.done $0x0  }
0x2c: {  	[sflag:s10] =	ssyncadd.s32 $0xFFFFD880  }
0x2d: {  	[bflag:$0x0] =	sbarrier.arrive $0xFFFF  }
0x2e: {  	s18 =	simm.s32 $0x0  }
0x2f: {  	[tilespmem:s15], [sflag:$0x1] =	stream.indirect.gather [hbm4b:s4+s14], $0x80, s18, s14, $0xb8;
	[tilespmem:$0x1EC00] =	vst v63  }
0x30: {  	_ =	swait.ge [sflag:s16], $0x4000  }
0x31: {  	[sflag:s16] =	ssyncset.done $0x0  }
0x32: {  	s31 =	simm.s32 $0x3800;
	[sflag:s16] =	ssyncadd.s32 $0xFFFFC000  }
0x33: {  	[spmem:s2] =	stream.indirect.scatter.add.f32 [tilespmem:s15], [sflag:$0x2], $0x80, s31, s14, $0xb8;
	[tilespmem:$0x1EC00] =	vst v63  }
0x34: {  	_ =	swait.ge [sflag:s10], $0x4000  }
0x35: {  	s18 =	simm.s32 $0x200;
	s19 =	simm.s32 $0x400;
	[sflag:s10] =	ssyncset.done $0x0  }
.LBB2_6:
0x36: {  	s20 =	sshra.s32 s18, $0x2  }
0x37: {  	[sflag:s10] =	ssyncadd.s32 $0xFFFFC000;
	s18 =	smov.u32 s19;
	s21 =	sadd.s32 $0x200, s19  }
0x38: {  	[tilespmem:s15], [sflag:$0x1] =	stream.indirect.gather [hbm4b:s4+s14], $0x80, s20, s14, $0xb8;
	[tilespmem:$0x1EC00] =	vst v63  }
0x39: {  	p1 =	sne.s32 s19, $0xD000;
	_ =	swait.ge [sflag:s16], $0x4000  }
.Ltmp3:
0x3a: {  	[sflag:s16] =	ssyncset.done $0x0;
	(pc) =	sbr.rel @p1 .LBB2_6-.Ltmp3, $4  }
0x3b: {  	s19 =	sadd.s32 $0x3800, s20;
	[sflag:s16] =	ssyncadd.s32 $0xFFFFC000  }
0x3c: {  	[spmem:s2] =	stream.indirect.scatter.add.f32 [tilespmem:s15], [sflag:$0x2], $0x80, s19, s14, $0xb8;
	[tilespmem:$0x1EC00] =	vst v63  }
0x3d: {  	_ =	swait.ge [sflag:s10], $0x4000  }
0x3e: {  	s19 =	smov.u32 s21;
	[sflag:s10] =	ssyncset.done $0x0  }
.Ltmp4:
0x3f: {  	_ = 	snop;
	(pc) =	sbr.rel .LBB2_7-.Ltmp4, $1  }
0x40: {  	_ =	sdelay $0x3  }
.LBB2_2:
0x41: {  	[tilespmem:s15], [sflag:$0x1] =	stream.indirect.gather [hbm4b:s4+s14], $0x80, s18, s14, $0xb8;
	[tilespmem:$0x1EC00] =	vst v63  }
0x42: {  	_ =	swait.ge [sflag:s16], $0x4000  }
0x43: {  	[sflag:s16] =	ssyncset.done $0x0  }
0x44: {  	s31 =	simm.s32 $0x3800;
	[sflag:s16] =	ssyncadd.s32 $0xFFFFC000  }
0x45: {  	[spmem:s2] =	stream.indirect.scatter.add.f32 [tilespmem:s15], [sflag:$0x2], $0x80, s31, s14, $0xb8;
	[tilespmem:$0x1EC00] =	vst v63  }
0x46: {  	_ =	swait.ge [sflag:s10], $0x4000  }
0x47: {  	s18 =	simm.s32 $0x200;
	s19 =	simm.s32 $0x400;
	[sflag:s10] =	ssyncset.done $0x0  }
.LBB2_3:
0x48: {  	s20 =	sshra.s32 s18, $0x2  }
0x49: {  	[sflag:s10] =	ssyncadd.s32 $0xFFFFC000;
	s18 =	smov.u32 s19;
	s21 =	sadd.s32 $0x200, s19  }
0x4a: {  	[tilespmem:s15], [sflag:$0x1] =	stream.indirect.gather [hbm4b:s4+s14], $0x80, s20, s14, $0xb8;
	[tilespmem:$0x1EC00] =	vst v63  }
0x4b: {  	p1 =	seq.s32 s19, $0x6600;
	_ =	swait.ge [sflag:s16], $0x4000  }
.Ltmp5:
0x4c: {  	[sflag:s16] =	ssyncset.done $0x0;
	(pc) =	sbr.rel @!p1 .LBB2_3-.Ltmp5, $4  }
0x4d: {  	s19 =	sadd.s32 $0x3800, s20;
	[sflag:s16] =	ssyncadd.s32 $0xFFFFC000  }
0x4e: {  	[spmem:s2] =	stream.indirect.scatter.add.f32 [tilespmem:s15], [sflag:$0x2], $0x80, s19, s14, $0xb8;
	[tilespmem:$0x1EC00] =	vst v63  }
0x4f: {  	_ =	swait.ge [sflag:s10], $0x4000  }
0x50: {  	s19 =	smov.u32 s21;
	[sflag:s10] =	ssyncset.done $0x0  }
0x51: {  	s18 =	sshra.s32 s18, $0x2;
	[sflag:s10] =	ssyncadd.s32 $0xFFFFC000  }
0x52: {  	[tilespmem:s15], [sflag:$0x1] =	stream.indirect.gather [hbm4b:s4+s14], $0x80, s18, s14, $0xb8;
	[tilespmem:$0x1EC00] =	vst v63  }
0x53: {  	_ =	swait.ge [sflag:s16], $0x4000  }
0x54: {  	[sflag:s16] =	ssyncset.done $0x0  }
.Ltmp6:
0x55: {  	s18 =	sadd.s32 $0x3800, s18;
	[sflag:s16] =	ssyncadd.s32 $0xFFFFC000;
	(pc) =	sbr.rel .LBB2_8-.Ltmp6, $4  }
0x56: {  	[spmem:s2] =	stream.indirect.scatter.add.f32 [tilespmem:s15], [sflag:$0x2], $0x80, s18, s14, $0xb8;
	[tilespmem:$0x1EC00] =	vst v63  }
0x57: {  	_ =	swait.ge [sflag:s10], $0x4000  }
0x58: {  	[sflag:s10] =	ssyncset.done $0x0  }
0x59: {  	[sflag:s10] =	ssyncadd.s32 $0xFFFFC000  }
.LBB2_9:
0x5a: {  	_ =	sfence.sel $0x180000  }
0x5b: {  	[bflag:$0x0] =	sbarrier.arrive $0xFFFF  }
0x5c: {  	p0 =	sne.s32 s1, $0x0;
	_ =	strace $0x9000004A  }
0x5d: {  	s0 =	sadd.s32 @!p0 $0x100000, s0;
	[bflag:$0x2] =	sbarrier.arrive $0xFFFF  }
0x5e: {  	[sflag:s0] =	ssyncadd.tile.s32 @!p0 $0x1;
	_ =	shalt  }
.Lfunc_end2:
_tile_overlayer_lowered:
.L_overlay_start_2:
0x5f: {  	(tag) =	ssettag $0x2  }
0x60: {  	s0 =	rddreg [dreg:$0x0];
	s2 =	stileid.u32  }
0x61: {  	s1 =	rddreg [dreg:$0x1];
	p0 =	sne.s32 s2, $0x0  }
0x62: {  	s3 =	rddreg [dreg:$0x2];
	[bflag:$0x3] =	sbarrier.arrive $0xFFFF;
	s2 =	simm.s32 @!p0 $0x1C02  }
0x63: {  	[timem:s3], [sflag:s2] =	dma.local @!p0 [hbm:s0], s1  }
0x64: {  	s0 =	simm.s32 @!p0 $0x2  }
0x65: {  	_ =	swait.ge @!p0 [sflag:s0], s1  }
0x66: {  	s1 =	ssub.s32 @!p0 $0x0, s1;
	[sflag:s0] =	ssyncset.done @!p0 $0x0  }
0x67: {  	[sflag:s0] =	ssyncadd.s32 @!p0 s1  }
0x68: {  	[bflag:$0x3] =	sbarrier.arrive $0xFFFF  }
0x69: {  	_ =	shalt  }

</sc_bundles>
